<compile_context>
chip_gen: v7x
topology: tpu7x:2x2x1
jax: 0.10.2.dev20260603
libtpu: 0.0.44.dev20260713+nightly
codegen_flags: <defaults>
</compile_context>

<pallas_src>
import jax
import jax.numpy as jnp
from jax import lax
from jax.experimental import pallas as pl
from jax.experimental.pallas import tpu as pltpu
from jax.experimental.pallas import tpu_sc as plsc

NC, NS = 2, 16
NW = NC * NS
B, S = 4096, 50
D = 64
V = 1000000
RPW = B // NW
GPW = RPW // 2
NBUF = 4
XC = 16384


def _emb_body(idx_hbm, table_hbm, emb_hbm, idx_v, bufs, sems):
    wid = lax.axis_index("s") * NC + lax.axis_index("c")
    base = wid * GPW

    pltpu.sync_copy(idx_hbm.at[pl.ds(base, GPW)], idx_v)

    for k in range(NBUF):
        pltpu.async_copy(table_hbm.at[idx_v.at[k]], bufs.at[k], sems.at[k])

    def row_iter(j, carry):
        for p in range(NBUF):
            @pl.when(j % NBUF == p)
            def _do():
                pltpu.make_async_copy(table_hbm.at[idx_v.at[j]], bufs.at[p], sems.at[p]).wait()
                for h in range(2):
                    pltpu.sync_copy(
                        bufs.at[p, pl.ds(h * S, S)],
                        emb_hbm.at[2 * (base + j) + h, pl.ds(0, S), pl.ds(0, D)],
                    )
                @pl.when(j + NBUF < GPW)
                def _refill():
                    pltpu.async_copy(table_hbm.at[idx_v.at[j + NBUF]], bufs.at[p], sems.at[p])
        return carry
    lax.fori_loop(0, GPW, row_iter, 0, unroll=2)


def _padxpose_body(tt_ref, out_ref):
    out_ref[:, :D] = tt_ref[...].T


def _mask_body(idx_ref, mask_ref, idx2_ref):
    v = idx_ref[...]
    mask_ref[...] = jnp.where(v > 0, 1.0, 0.0).astype(jnp.float32)
    idx2_ref[...] = v * 2


def kernel(string_lkup, table):
    mask, idx2 = pl.pallas_call(
        _mask_body,
        out_shape=[
            jax.ShapeDtypeStruct((B, S), jnp.float32),
            jax.ShapeDtypeStruct((B, S), jnp.int32),
        ],
    )(string_lkup)

    tpad128 = pl.pallas_call(
        _padxpose_body,
        grid=(pl.cdiv(V, XC),),
        in_specs=[pl.BlockSpec((D, XC), lambda i: (0, i))],
        out_specs=pl.BlockSpec((XC, 2 * D), lambda i: (i, 0)),
        out_shape=jax.ShapeDtypeStruct((V, 2 * D), jnp.float32),
    )(table.T)
    tpad = tpad128.reshape(2 * V, D)

    mesh = plsc.VectorSubcoreMesh(core_axis_name="c", subcore_axis_name="s")
    emb_pad = pl.kernel(
        _emb_body,
        out_type=jax.ShapeDtypeStruct((B, 56, 2 * D), jnp.float32),
        mesh=mesh,
        compiler_params=pltpu.CompilerParams(use_tc_tiling_on_sc=False),
        scratch_types=[
            pltpu.VMEM((GPW, 2 * S), jnp.int32),
            pltpu.VMEM((NBUF, 2 * S, D), jnp.float32),
            pltpu.SemaphoreType.DMA((NBUF,)),
        ],
    )(idx2.reshape(B // 2, 2 * S), tpad)

    return emb_pad[:, :S, :D], mask

# --- scband reference (transcript-rebuilt; emitter-appended) ---
"""Pipeline reference for scband-emb-8718783611000 (READ-ONLY COPY).

The authoritative reference and input builder live on the scoring server;
editing this copy changes nothing except your own understanding.
"""

import jax, jax.numpy as jnp
import numpy as np

VOCAB = 1000000
EMBED_DIM = 64

def setup_inputs(seed: int = 0) -> dict:
    key = jax.random.key(seed)
    k1, k2 = jax.random.split(key)
    string_lkup = jax.random.randint(k1, (4096, 50), 0, VOCAB, dtype=jnp.int64 if jax.config.jax_enable_x64 else jnp.int32).astype(jnp.int32)
    table = jax.random.normal(k2, (VOCAB, EMBED_DIM), dtype=jnp.float32)
    # nn.Embedding with padding_idx=0: row 0 is zeroed at init
    table = table.at[0].set(jnp.zeros((EMBED_DIM,), dtype=jnp.float32))
    return {"string_lkup": string_lkup, "table": table}

def reference(string_lkup, table):
    # mask = (string_lkup > 0).float()
    mask = (string_lkup > 0).astype(jnp.float32)
    # enforce padding_idx=0 semantics: row 0 contributes zeros
    t = table.at[0].set(jnp.zeros_like(table[0]))
    emb = jnp.take(t, string_lkup, axis=0)
    return (emb, mask)

if __name__ == "__main__":
    import jax
    _d = setup_inputs()
    print(jax.jit(kernel)(*tuple(_d.values())))

</pallas_src>

<mosaic_0001>
#map = affine_map<(d0, d1) -> (0, 0)>
#map1 = affine_map<(d0, d1) -> (0, 0, 0)>
module attributes {stable_mosaic.version = 14 : i64} {
  func.func @_emb_body(%arg0: i32, %arg1: i32, %arg2: memref<2048x100xi32, #tpu.memory_space<hbm>>, %arg3: memref<2000000x64xf32, #tpu.memory_space<hbm>>, %arg4: memref<4096x56x128xf32, #tpu.memory_space<hbm>>, %arg5: memref<64x100xi32, #tpu.memory_space<vmem>>, %arg6: memref<4x100x64xf32, #tpu.memory_space<vmem>>, %arg7: memref<4x!tpu.dma_semaphore, #tpu.memory_space<semaphore_mem>>) attributes {dimension_semantics = [#tpu.dimension_semantics<core_parallel>, #tpu.dimension_semantics<subcore_parallel>], iteration_bounds = array<i64: 2, 16>, scalar_prefetch = 0 : i64, scratch_operands = 3 : i64, tpu.core_type = #tpu.core_type<sc_vector_subcore>, window_params = [{transform_indices = #map}, {transform_indices = #map}, {transform_indices = #map1}]} {
    %mul3A = arith.constant 2 : i32
    %mul3A_0 = arith.muli %arg1, %mul3A : i32
    %add3A = arith.addi %mul3A_0, %arg0 : i32
    %mul3A_1 = arith.constant 64 : i32
    %mul3A_2 = arith.muli %add3A, %mul3A_1 : i32
    "tpu.region"() ({
      %run_scoped3A = tpu.sem_alloc : memref<!tpu.dma_semaphore, #tpu.memory_space<semaphore_mem>>
      %dma_start3A_67 = arith.constant 0 : i32
      %dma_start3A_68 = tpu.memref_slice %arg2[%mul3A_2, %dma_start3A_67] : memref<2048x100xi32, #tpu.memory_space<hbm>> -> memref<64x100xi32, #tpu.memory_space<hbm>>
      %dma_start3A_69 = arith.constant 0 : i32
      %dma_start3A_70 = tpu.memref_slice %arg2[%mul3A_2, %dma_start3A_69] : memref<2048x100xi32, #tpu.memory_space<hbm>> -> memref<64x100xi32, #tpu.memory_space<hbm>>
      tpu.enqueue_dma source(%dma_start3A_70 : memref<64x100xi32, #tpu.memory_space<hbm>>) target(%arg5 : memref<64x100xi32, #tpu.memory_space<vmem>>) target_semaphore(%run_scoped3A : memref<!tpu.dma_semaphore, #tpu.memory_space<semaphore_mem>>)
      %dma_wait3A = arith.constant 0 : i32
      %dma_wait3A_71 = tpu.memref_slice %arg2[%mul3A_2, %dma_wait3A] : memref<2048x100xi32, #tpu.memory_space<hbm>> -> memref<64x100xi32, #tpu.memory_space<hbm>>
      %dma_wait3A_72 = arith.constant 0 : i32
      %dma_wait3A_73 = tpu.memref_slice %arg2[%mul3A_2, %dma_wait3A_72] : memref<2048x100xi32, #tpu.memory_space<hbm>> -> memref<64x100xi32, #tpu.memory_space<hbm>>
      tpu.wait_dma2 semaphore(%run_scoped3A : memref<!tpu.dma_semaphore, #tpu.memory_space<semaphore_mem>>) src(%dma_wait3A_73 : memref<64x100xi32, #tpu.memory_space<hbm>>) dst(%arg5 : memref<64x100xi32, #tpu.memory_space<vmem>>)
      tpu.yield
    }) : () -> ()
    %dma_start3A = arith.constant 0 : i32
    %dma_start3A_3 = arith.constant 0 : i32
    %dma_start3A_4 = arith.constant 0 : i32
    %dma_start3A_5 = arith.constant 0 : i32
    %dma_start3A_6 = arith.constant 0 : i32
    %dma_start3A_7 = tpu.memref_slice %arg6[%dma_start3A_3, %dma_start3A_5, %dma_start3A_6] : memref<4x100x64xf32, #tpu.memory_space<vmem>> -> memref<1x100x64xf32, #tpu.memory_space<vmem>>
    %dma_start3A_8 = tpu.memref_squeeze %dma_start3A_7 : memref<1x100x64xf32, #tpu.memory_space<vmem>> -> memref<100x64xf32, #tpu.memory_space<vmem>>
    %dma_start3A_9 = arith.constant 0 : i32
    %dma_start3A_10 = tpu.memref_slice %arg5[%dma_start3A, %dma_start3A_9] : memref<64x100xi32, #tpu.memory_space<vmem>> -> memref<1x100xi32, #tpu.memory_space<vmem>>
    %dma_start3A_11 = tpu.memref_squeeze %dma_start3A_10 : memref<1x100xi32, #tpu.memory_space<vmem>> -> memref<100xi32, #tpu.memory_space<vmem>>
    %dma_start3A_12 = arith.constant 0 : i32
    %dma_start3A_13 = arith.constant 0 : i32
    %dma_start3A_14 = tpu.memref_slice %arg3[%dma_start3A_12, %dma_start3A_13] : memref<2000000x64xf32, #tpu.memory_space<hbm>> -> memref<2000000x64xf32, #tpu.memory_space<hbm>>
    %dma_start3A_15 = tpu.memref_slice %arg7[%dma_start3A_4] : memref<4x!tpu.dma_semaphore, #tpu.memory_space<semaphore_mem>> -> memref<1x!tpu.dma_semaphore, #tpu.memory_space<semaphore_mem>>
    %dma_start3A_16 = tpu.memref_squeeze %dma_start3A_15 : memref<1x!tpu.dma_semaphore, #tpu.memory_space<semaphore_mem>> -> memref<!tpu.dma_semaphore, #tpu.memory_space<semaphore_mem>>
    tpu.enqueue_indirect_dma source(%dma_start3A_14 : memref<2000000x64xf32, #tpu.memory_space<hbm>>) target(%dma_start3A_8 : memref<100x64xf32, #tpu.memory_space<vmem>>) offsets(%dma_start3A_11 : memref<100xi32, #tpu.memory_space<vmem>>) semaphore(%dma_start3A_16 : memref<!tpu.dma_semaphore, #tpu.memory_space<semaphore_mem>>)
    %dma_start3A_17 = arith.constant 1 : i32
    %dma_start3A_18 = arith.constant 1 : i32
    %dma_start3A_19 = arith.constant 1 : i32
    %dma_start3A_20 = arith.constant 0 : i32
    %dma_start3A_21 = arith.constant 0 : i32
    %dma_start3A_22 = tpu.memref_slice %arg6[%dma_start3A_18, %dma_start3A_20, %dma_start3A_21] : memref<4x100x64xf32, #tpu.memory_space<vmem>> -> memref<1x100x64xf32, #tpu.memory_space<vmem>>
    %dma_start3A_23 = tpu.memref_squeeze %dma_start3A_22 : memref<1x100x64xf32, #tpu.memory_space<vmem>> -> memref<100x64xf32, #tpu.memory_space<vmem>>
    %dma_start3A_24 = arith.constant 0 : i32
    %dma_start3A_25 = tpu.memref_slice %arg5[%dma_start3A_17, %dma_start3A_24] : memref<64x100xi32, #tpu.memory_space<vmem>> -> memref<1x100xi32, #tpu.memory_space<vmem>>
    %dma_start3A_26 = tpu.memref_squeeze %dma_start3A_25 : memref<1x100xi32, #tpu.memory_space<vmem>> -> memref<100xi32, #tpu.memory_space<vmem>>
    %dma_start3A_27 = arith.constant 0 : i32
    %dma_start3A_28 = arith.constant 0 : i32
    %dma_start3A_29 = tpu.memref_slice %arg3[%dma_start3A_27, %dma_start3A_28] : memref<2000000x64xf32, #tpu.memory_space<hbm>> -> memref<2000000x64xf32, #tpu.memory_space<hbm>>
    %dma_start3A_30 = tpu.memref_slice %arg7[%dma_start3A_19] : memref<4x!tpu.dma_semaphore, #tpu.memory_space<semaphore_mem>> -> memref<1x!tpu.dma_semaphore, #tpu.memory_space<semaphore_mem>>
    %dma_start3A_31 = tpu.memref_squeeze %dma_start3A_30 : memref<1x!tpu.dma_semaphore, #tpu.memory_space<semaphore_mem>> -> memref<!tpu.dma_semaphore, #tpu.memory_space<semaphore_mem>>
    tpu.enqueue_indirect_dma source(%dma_start3A_29 : memref<2000000x64xf32, #tpu.memory_space<hbm>>) target(%dma_start3A_23 : memref<100x64xf32, #tpu.memory_space<vmem>>) offsets(%dma_start3A_26 : memref<100xi32, #tpu.memory_space<vmem>>) semaphore(%dma_start3A_31 : memref<!tpu.dma_semaphore, #tpu.memory_space<semaphore_mem>>)
    %dma_start3A_32 = arith.constant 2 : i32
    %dma_start3A_33 = arith.constant 2 : i32
    %dma_start3A_34 = arith.constant 2 : i32
    %dma_start3A_35 = arith.constant 0 : i32
    %dma_start3A_36 = arith.constant 0 : i32
    %dma_start3A_37 = tpu.memref_slice %arg6[%dma_start3A_33, %dma_start3A_35, %dma_start3A_36] : memref<4x100x64xf32, #tpu.memory_space<vmem>> -> memref<1x100x64xf32, #tpu.memory_space<vmem>>
    %dma_start3A_38 = tpu.memref_squeeze %dma_start3A_37 : memref<1x100x64xf32, #tpu.memory_space<vmem>> -> memref<100x64xf32, #tpu.memory_space<vmem>>
    %dma_start3A_39 = arith.constant 0 : i32
    %dma_start3A_40 = tpu.memref_slice %arg5[%dma_start3A_32, %dma_start3A_39] : memref<64x100xi32, #tpu.memory_space<vmem>> -> memref<1x100xi32, #tpu.memory_space<vmem>>
    %dma_start3A_41 = tpu.memref_squeeze %dma_start3A_40 : memref<1x100xi32, #tpu.memory_space<vmem>> -> memref<100xi32, #tpu.memory_space<vmem>>
    %dma_start3A_42 = arith.constant 0 : i32
    %dma_start3A_43 = arith.constant 0 : i32
    %dma_start3A_44 = tpu.memref_slice %arg3[%dma_start3A_42, %dma_start3A_43] : memref<2000000x64xf32, #tpu.memory_space<hbm>> -> memref<2000000x64xf32, #tpu.memory_space<hbm>>
    %dma_start3A_45 = tpu.memref_slice %arg7[%dma_start3A_34] : memref<4x!tpu.dma_semaphore, #tpu.memory_space<semaphore_mem>> -> memref<1x!tpu.dma_semaphore, #tpu.memory_space<semaphore_mem>>
    %dma_start3A_46 = tpu.memref_squeeze %dma_start3A_45 : memref<1x!tpu.dma_semaphore, #tpu.memory_space<semaphore_mem>> -> memref<!tpu.dma_semaphore, #tpu.memory_space<semaphore_mem>>
    tpu.enqueue_indirect_dma source(%dma_start3A_44 : memref<2000000x64xf32, #tpu.memory_space<hbm>>) target(%dma_start3A_38 : memref<100x64xf32, #tpu.memory_space<vmem>>) offsets(%dma_start3A_41 : memref<100xi32, #tpu.memory_space<vmem>>) semaphore(%dma_start3A_46 : memref<!tpu.dma_semaphore, #tpu.memory_space<semaphore_mem>>)
    %dma_start3A_47 = arith.constant 3 : i32
    %dma_start3A_48 = arith.constant 3 : i32
    %dma_start3A_49 = arith.constant 3 : i32
    %dma_start3A_50 = arith.constant 0 : i32
    %dma_start3A_51 = arith.constant 0 : i32
    %dma_start3A_52 = tpu.memref_slice %arg6[%dma_start3A_48, %dma_start3A_50, %dma_start3A_51] : memref<4x100x64xf32, #tpu.memory_space<vmem>> -> memref<1x100x64xf32, #tpu.memory_space<vmem>>
    %dma_start3A_53 = tpu.memref_squeeze %dma_start3A_52 : memref<1x100x64xf32, #tpu.memory_space<vmem>> -> memref<100x64xf32, #tpu.memory_space<vmem>>
    %dma_start3A_54 = arith.constant 0 : i32
    %dma_start3A_55 = tpu.memref_slice %arg5[%dma_start3A_47, %dma_start3A_54] : memref<64x100xi32, #tpu.memory_space<vmem>> -> memref<1x100xi32, #tpu.memory_space<vmem>>
    %dma_start3A_56 = tpu.memref_squeeze %dma_start3A_55 : memref<1x100xi32, #tpu.memory_space<vmem>> -> memref<100xi32, #tpu.memory_space<vmem>>
    %dma_start3A_57 = arith.constant 0 : i32
    %dma_start3A_58 = arith.constant 0 : i32
    %dma_start3A_59 = tpu.memref_slice %arg3[%dma_start3A_57, %dma_start3A_58] : memref<2000000x64xf32, #tpu.memory_space<hbm>> -> memref<2000000x64xf32, #tpu.memory_space<hbm>>
    %dma_start3A_60 = tpu.memref_slice %arg7[%dma_start3A_49] : memref<4x!tpu.dma_semaphore, #tpu.memory_space<semaphore_mem>> -> memref<1x!tpu.dma_semaphore, #tpu.memory_space<semaphore_mem>>
    %dma_start3A_61 = tpu.memref_squeeze %dma_start3A_60 : memref<1x!tpu.dma_semaphore, #tpu.memory_space<semaphore_mem>> -> memref<!tpu.dma_semaphore, #tpu.memory_space<semaphore_mem>>
    tpu.enqueue_indirect_dma source(%dma_start3A_59 : memref<2000000x64xf32, #tpu.memory_space<hbm>>) target(%dma_start3A_53 : memref<100x64xf32, #tpu.memory_space<vmem>>) offsets(%dma_start3A_56 : memref<100xi32, #tpu.memory_space<vmem>>) semaphore(%dma_start3A_61 : memref<!tpu.dma_semaphore, #tpu.memory_space<semaphore_mem>>)
    %scan3A = arith.constant 0 : i32
    %scan3A_62 = arith.constant 0 : i32
    %scan3A_63 = arith.constant 64 : i32
    %scan3A_64 = arith.addi %scan3A_62, %scan3A_63 : i32
    %scan3A_65 = arith.constant 2 : i32
    scf.for %scan3A_67 = %scan3A_62 to %scan3A_64 step %scan3A_65  : i32 {
      %jit3A = arith.constant 4 : i32
      %eq3A = arith.constant 0 : i32
      %eq3A_68 = arith.cmpi eq, %jit3A, %eq3A : i32
      %jit3A_69 = arith.constant 1 : i32
      %select_n3A = arith.select %eq3A_68, %jit3A_69, %jit3A : i32
      %rem3A = arith.remsi %scan3A_67, %select_n3A : i32
      %ne3A = arith.constant 0 : i32
      %ne3A_70 = arith.cmpi ne, %rem3A, %ne3A : i32
      %lt3A = arith.constant 0 : i32
      %lt3A_71 = arith.cmpi slt, %rem3A, %lt3A : i32
      %lt3A_72 = arith.constant 0 : i32
      %lt3A_73 = arith.cmpi slt, %select_n3A, %lt3A_72 : i32
      %ne3A_74 = arith.xori %lt3A_71, %lt3A_73 : i1
      %and3A = arith.andi %ne3A_74, %ne3A_70 : i1
      %add3A_75 = arith.addi %rem3A, %select_n3A : i32
      %select_n3A_76 = arith.select %and3A, %add3A_75, %rem3A : i32
      %eq3A_77 = arith.constant 0 : i32
      %eq3A_78 = arith.cmpi eq, %select_n3A_76, %eq3A_77 : i32
      %convert_element_type3A = arith.extui %eq3A_78 : i1 to i32
      %cond3A = arith.constant 0 : i32
      %cond3A_79 = arith.cmpi ne, %convert_element_type3A, %cond3A : i32
      scf.if %cond3A_79 {
        %dma_wait3A = arith.constant 0 : i32
        %dma_wait3A_229 = arith.constant 0 : i32
        %dma_wait3A_230 = arith.constant 0 : i32
        %dma_wait3A_231 = arith.constant 0 : i32
        %dma_wait3A_232 = tpu.memref_slice %arg6[%dma_wait3A, %dma_wait3A_230, %dma_wait3A_231] : memref<4x100x64xf32, #tpu.memory_space<vmem>> -> memref<1x100x64xf32, #tpu.memory_space<vmem>>
        %dma_wait3A_233 = tpu.memref_squeeze %dma_wait3A_232 : memref<1x100x64xf32, #tpu.memory_space<vmem>> -> memref<100x64xf32, #tpu.memory_space<vmem>>
        %dma_wait3A_234 = arith.constant 0 : i32
        %dma_wait3A_235 = tpu.memref_slice %arg5[%scan3A_67, %dma_wait3A_234] : memref<64x100xi32, #tpu.memory_space<vmem>> -> memref<1x100xi32, #tpu.memory_space<vmem>>
        %dma_wait3A_236 = tpu.memref_squeeze %dma_wait3A_235 : memref<1x100xi32, #tpu.memory_space<vmem>> -> memref<100xi32, #tpu.memory_space<vmem>>
        %dma_wait3A_237 = arith.constant 0 : i32
        %dma_wait3A_238 = arith.constant 0 : i32
        %dma_wait3A_239 = tpu.memref_slice %arg3[%dma_wait3A_237, %dma_wait3A_238] : memref<2000000x64xf32, #tpu.memory_space<hbm>> -> memref<2000000x64xf32, #tpu.memory_space<hbm>>
        %dma_wait3A_240 = tpu.memref_slice %arg7[%dma_wait3A_229] : memref<4x!tpu.dma_semaphore, #tpu.memory_space<semaphore_mem>> -> memref<1x!tpu.dma_semaphore, #tpu.memory_space<semaphore_mem>>
        %dma_wait3A_241 = tpu.memref_squeeze %dma_wait3A_240 : memref<1x!tpu.dma_semaphore, #tpu.memory_space<semaphore_mem>> -> memref<!tpu.dma_semaphore, #tpu.memory_space<semaphore_mem>>
        tpu.wait_indirect_dma semaphore(%dma_wait3A_241 : memref<!tpu.dma_semaphore, #tpu.memory_space<semaphore_mem>>) src(%dma_wait3A_239 : memref<2000000x64xf32, #tpu.memory_space<hbm>>) dst(%dma_wait3A_233 : memref<100x64xf32, #tpu.memory_space<vmem>>)
        %add3A_242 = arith.addi %mul3A_2, %scan3A_67 : i32
        %mul3A_243 = arith.constant 2 : i32
        %mul3A_244 = arith.muli %mul3A_243, %add3A_242 : i32
        %add3A_245 = arith.constant 0 : i32
        %add3A_246 = arith.addi %mul3A_244, %add3A_245 : i32
        %run_scoped3A = arith.constant 0 : i32
        "tpu.region"() ({
          %run_scoped3A_260 = tpu.sem_alloc : memref<!tpu.dma_semaphore, #tpu.memory_space<semaphore_mem>>
          %dma_start3A_261 = arith.constant 0 : i32
          %dma_start3A_262 = arith.constant 0 : i32
          %dma_start3A_263 = tpu.memref_slice %arg6[%run_scoped3A, %dma_start3A_261, %dma_start3A_262] : memref<4x100x64xf32, #tpu.memory_space<vmem>> -> memref<1x50x64xf32, #tpu.memory_space<vmem>>
          %dma_start3A_264 = tpu.memref_squeeze %dma_start3A_263 : memref<1x50x64xf32, #tpu.memory_space<vmem>> -> memref<50x64xf32, #tpu.memory_space<vmem>>
          %dma_start3A_265 = arith.constant 0 : i32
          %dma_start3A_266 = arith.constant 0 : i32
          %dma_start3A_267 = tpu.memref_slice %arg4[%add3A_246, %dma_start3A_265, %dma_start3A_266] : memref<4096x56x128xf32, #tpu.memory_space<hbm>> -> memref<1x50x64xf32, #tpu.memory_space<hbm>>
          %dma_start3A_268 = tpu.memref_squeeze %dma_start3A_267 : memref<1x50x64xf32, #tpu.memory_space<hbm>> -> memref<50x64xf32, #tpu.memory_space<hbm>>
          %dma_start3A_269 = arith.constant 0 : i32
          %dma_start3A_270 = arith.constant 0 : i32
          %dma_start3A_271 = tpu.memref_slice %arg4[%add3A_246, %dma_start3A_269, %dma_start3A_270] : memref<4096x56x128xf32, #tpu.memory_space<hbm>> -> memref<1x50x64xf32, #tpu.memory_space<hbm>>
          %dma_start3A_272 = tpu.memref_squeeze %dma_start3A_271 : memref<1x50x64xf32, #tpu.memory_space<hbm>> -> memref<50x64xf32, #tpu.memory_space<hbm>>
          %dma_start3A_273 = arith.constant 0 : i32
          %dma_start3A_274 = arith.constant 0 : i32
          %dma_start3A_275 = tpu.memref_slice %arg6[%run_scoped3A, %dma_start3A_273, %dma_start3A_274] : memref<4x100x64xf32, #tpu.memory_space<vmem>> -> memref<1x50x64xf32, #tpu.memory_space<vmem>>
          %dma_start3A_276 = tpu.memref_squeeze %dma_start3A_275 : memref<1x50x64xf32, #tpu.memory_space<vmem>> -> memref<50x64xf32, #tpu.memory_space<vmem>>
          tpu.enqueue_dma source(%dma_start3A_276 : memref<50x64xf32, #tpu.memory_space<vmem>>) target(%dma_start3A_272 : memref<50x64xf32, #tpu.memory_space<hbm>>) target_semaphore(%run_scoped3A_260 : memref<!tpu.dma_semaphore, #tpu.memory_space<semaphore_mem>>)
          %dma_wait3A_277 = arith.constant 0 : i32
          %dma_wait3A_278 = arith.constant 0 : i32
          %dma_wait3A_279 = tpu.memref_slice %arg6[%run_scoped3A, %dma_wait3A_277, %dma_wait3A_278] : memref<4x100x64xf32, #tpu.memory_space<vmem>> -> memref<1x50x64xf32, #tpu.memory_space<vmem>>
          %dma_wait3A_280 = tpu.memref_squeeze %dma_wait3A_279 : memref<1x50x64xf32, #tpu.memory_space<vmem>> -> memref<50x64xf32, #tpu.memory_space<vmem>>
          %dma_wait3A_281 = arith.constant 0 : i32
          %dma_wait3A_282 = arith.constant 0 : i32
          %dma_wait3A_283 = tpu.memref_slice %arg4[%add3A_246, %dma_wait3A_281, %dma_wait3A_282] : memref<4096x56x128xf32, #tpu.memory_space<hbm>> -> memref<1x50x64xf32, #tpu.memory_space<hbm>>
          %dma_wait3A_284 = tpu.memref_squeeze %dma_wait3A_283 : memref<1x50x64xf32, #tpu.memory_space<hbm>> -> memref<50x64xf32, #tpu.memory_space<hbm>>
          %dma_wait3A_285 = arith.constant 0 : i32
          %dma_wait3A_286 = arith.constant 0 : i32
          %dma_wait3A_287 = tpu.memref_slice %arg4[%add3A_246, %dma_wait3A_285, %dma_wait3A_286] : memref<4096x56x128xf32, #tpu.memory_space<hbm>> -> memref<1x50x64xf32, #tpu.memory_space<hbm>>
          %dma_wait3A_288 = tpu.memref_squeeze %dma_wait3A_287 : memref<1x50x64xf32, #tpu.memory_space<hbm>> -> memref<50x64xf32, #tpu.memory_space<hbm>>
          %dma_wait3A_289 = arith.constant 0 : i32
          %dma_wait3A_290 = arith.constant 0 : i32
          %dma_wait3A_291 = tpu.memref_slice %arg6[%run_scoped3A, %dma_wait3A_289, %dma_wait3A_290] : memref<4x100x64xf32, #tpu.memory_space<vmem>> -> memref<1x50x64xf32, #tpu.memory_space<vmem>>
          %dma_wait3A_292 = tpu.memref_squeeze %dma_wait3A_291 : memref<1x50x64xf32, #tpu.memory_space<vmem>> -> memref<50x64xf32, #tpu.memory_space<vmem>>
          tpu.wait_dma2 semaphore(%run_scoped3A_260 : memref<!tpu.dma_semaphore, #tpu.memory_space<semaphore_mem>>) src(%dma_wait3A_292 : memref<50x64xf32, #tpu.memory_space<vmem>>) dst(%dma_wait3A_288 : memref<50x64xf32, #tpu.memory_space<hbm>>)
          tpu.yield
        }) : () -> ()
        %add3A_247 = arith.addi %mul3A_2, %scan3A_67 : i32
        %mul3A_248 = arith.constant 2 : i32
        %mul3A_249 = arith.muli %mul3A_248, %add3A_247 : i32
        %add3A_250 = arith.constant 1 : i32
        %add3A_251 = arith.addi %mul3A_249, %add3A_250 : i32
        %run_scoped3A_252 = arith.constant 0 : i32
        "tpu.region"() ({
          %run_scoped3A_260 = tpu.sem_alloc : memref<!tpu.dma_semaphore, #tpu.memory_space<semaphore_mem>>
          %dma_start3A_261 = arith.constant 50 : i32
          %dma_start3A_262 = arith.constant 0 : i32
          %dma_start3A_263 = tpu.memref_slice %arg6[%run_scoped3A_252, %dma_start3A_261, %dma_start3A_262] : memref<4x100x64xf32, #tpu.memory_space<vmem>> -> memref<1x50x64xf32, #tpu.memory_space<vmem>>
          %dma_start3A_264 = tpu.memref_squeeze %dma_start3A_263 : memref<1x50x64xf32, #tpu.memory_space<vmem>> -> memref<50x64xf32, #tpu.memory_space<vmem>>
          %dma_start3A_265 = arith.constant 0 : i32
          %dma_start3A_266 = arith.constant 0 : i32
          %dma_start3A_267 = tpu.memref_slice %arg4[%add3A_251, %dma_start3A_265, %dma_start3A_266] : memref<4096x56x128xf32, #tpu.memory_space<hbm>> -> memref<1x50x64xf32, #tpu.memory_space<hbm>>
          %dma_start3A_268 = tpu.memref_squeeze %dma_start3A_267 : memref<1x50x64xf32, #tpu.memory_space<hbm>> -> memref<50x64xf32, #tpu.memory_space<hbm>>
          %dma_start3A_269 = arith.constant 0 : i32
          %dma_start3A_270 = arith.constant 0 : i32
          %dma_start3A_271 = tpu.memref_slice %arg4[%add3A_251, %dma_start3A_269, %dma_start3A_270] : memref<4096x56x128xf32, #tpu.memory_space<hbm>> -> memref<1x50x64xf32, #tpu.memory_space<hbm>>
          %dma_start3A_272 = tpu.memref_squeeze %dma_start3A_271 : memref<1x50x64xf32, #tpu.memory_space<hbm>> -> memref<50x64xf32, #tpu.memory_space<hbm>>
          %dma_start3A_273 = arith.constant 50 : i32
          %dma_start3A_274 = arith.constant 0 : i32
          %dma_start3A_275 = tpu.memref_slice %arg6[%run_scoped3A_252, %dma_start3A_273, %dma_start3A_274] : memref<4x100x64xf32, #tpu.memory_space<vmem>> -> memref<1x50x64xf32, #tpu.memory_space<vmem>>
          %dma_start3A_276 = tpu.memref_squeeze %dma_start3A_275 : memref<1x50x64xf32, #tpu.memory_space<vmem>> -> memref<50x64xf32, #tpu.memory_space<vmem>>
          tpu.enqueue_dma source(%dma_start3A_276 : memref<50x64xf32, #tpu.memory_space<vmem>>) target(%dma_start3A_272 : memref<50x64xf32, #tpu.memory_space<hbm>>) target_semaphore(%run_scoped3A_260 : memref<!tpu.dma_semaphore, #tpu.memory_space<semaphore_mem>>)
          %dma_wait3A_277 = arith.constant 50 : i32
          %dma_wait3A_278 = arith.constant 0 : i32
          %dma_wait3A_279 = tpu.memref_slice %arg6[%run_scoped3A_252, %dma_wait3A_277, %dma_wait3A_278] : memref<4x100x64xf32, #tpu.memory_space<vmem>> -> memref<1x50x64xf32, #tpu.memory_space<vmem>>
          %dma_wait3A_280 = tpu.memref_squeeze %dma_wait3A_279 : memref<1x50x64xf32, #tpu.memory_space<vmem>> -> memref<50x64xf32, #tpu.memory_space<vmem>>
          %dma_wait3A_281 = arith.constant 0 : i32
          %dma_wait3A_282 = arith.constant 0 : i32
          %dma_wait3A_283 = tpu.memref_slice %arg4[%add3A_251, %dma_wait3A_281, %dma_wait3A_282] : memref<4096x56x128xf32, #tpu.memory_space<hbm>> -> memref<1x50x64xf32, #tpu.memory_space<hbm>>
          %dma_wait3A_284 = tpu.memref_squeeze %dma_wait3A_283 : memref<1x50x64xf32, #tpu.memory_space<hbm>> -> memref<50x64xf32, #tpu.memory_space<hbm>>
          %dma_wait3A_285 = arith.constant 0 : i32
          %dma_wait3A_286 = arith.constant 0 : i32
          %dma_wait3A_287 = tpu.memref_slice %arg4[%add3A_251, %dma_wait3A_285, %dma_wait3A_286] : memref<4096x56x128xf32, #tpu.memory_space<hbm>> -> memref<1x50x64xf32, #tpu.memory_space<hbm>>
          %dma_wait3A_288 = tpu.memref_squeeze %dma_wait3A_287 : memref<1x50x64xf32, #tpu.memory_space<hbm>> -> memref<50x64xf32, #tpu.memory_space<hbm>>
          %dma_wait3A_289 = arith.constant 50 : i32
          %dma_wait3A_290 = arith.constant 0 : i32
          %dma_wait3A_291 = tpu.memref_slice %arg6[%run_scoped3A_252, %dma_wait3A_289, %dma_wait3A_290] : memref<4x100x64xf32, #tpu.memory_space<vmem>> -> memref<1x50x64xf32, #tpu.memory_space<vmem>>
          %dma_wait3A_292 = tpu.memref_squeeze %dma_wait3A_291 : memref<1x50x64xf32, #tpu.memory_space<vmem>> -> memref<50x64xf32, #tpu.memory_space<vmem>>
          tpu.wait_dma2 semaphore(%run_scoped3A_260 : memref<!tpu.dma_semaphore, #tpu.memory_space<semaphore_mem>>) src(%dma_wait3A_292 : memref<50x64xf32, #tpu.memory_space<vmem>>) dst(%dma_wait3A_288 : memref<50x64xf32, #tpu.memory_space<hbm>>)
          tpu.yield
        }) : () -> ()
        %add3A_253 = arith.constant 4 : i32
        %add3A_254 = arith.addi %scan3A_67, %add3A_253 : i32
        %lt3A_255 = arith.constant 64 : i32
        %lt3A_256 = arith.cmpi slt, %add3A_254, %lt3A_255 : i32
        %convert_element_type3A_257 = arith.extui %lt3A_256 : i1 to i32
        %cond3A_258 = arith.constant 0 : i32
        %cond3A_259 = arith.cmpi ne, %convert_element_type3A_257, %cond3A_258 : i32
        scf.if %cond3A_259 {
          %add3A_260 = arith.constant 4 : i32
          %add3A_261 = arith.addi %scan3A_67, %add3A_260 : i32
          %dma_start3A_262 = arith.constant 0 : i32
          %dma_start3A_263 = arith.constant 0 : i32
          %dma_start3A_264 = arith.constant 0 : i32
          %dma_start3A_265 = arith.constant 0 : i32
          %dma_start3A_266 = tpu.memref_slice %arg6[%dma_start3A_262, %dma_start3A_264, %dma_start3A_265] : memref<4x100x64xf32, #tpu.memory_space<vmem>> -> memref<1x100x64xf32, #tpu.memory_space<vmem>>
          %dma_start3A_267 = tpu.memref_squeeze %dma_start3A_266 : memref<1x100x64xf32, #tpu.memory_space<vmem>> -> memref<100x64xf32, #tpu.memory_space<vmem>>
          %dma_start3A_268 = arith.constant 0 : i32
          %dma_start3A_269 = tpu.memref_slice %arg5[%add3A_261, %dma_start3A_268] : memref<64x100xi32, #tpu.memory_space<vmem>> -> memref<1x100xi32, #tpu.memory_space<vmem>>
          %dma_start3A_270 = tpu.memref_squeeze %dma_start3A_269 : memref<1x100xi32, #tpu.memory_space<vmem>> -> memref<100xi32, #tpu.memory_space<vmem>>
          %dma_start3A_271 = arith.constant 0 : i32
          %dma_start3A_272 = arith.constant 0 : i32
          %dma_start3A_273 = tpu.memref_slice %arg3[%dma_start3A_271, %dma_start3A_272] : memref<2000000x64xf32, #tpu.memory_space<hbm>> -> memref<2000000x64xf32, #tpu.memory_space<hbm>>
          %dma_start3A_274 = tpu.memref_slice %arg7[%dma_start3A_263] : memref<4x!tpu.dma_semaphore, #tpu.memory_space<semaphore_mem>> -> memref<1x!tpu.dma_semaphore, #tpu.memory_space<semaphore_mem>>
          %dma_start3A_275 = tpu.memref_squeeze %dma_start3A_274 : memref<1x!tpu.dma_semaphore, #tpu.memory_space<semaphore_mem>> -> memref<!tpu.dma_semaphore, #tpu.memory_space<semaphore_mem>>
          tpu.enqueue_indirect_dma source(%dma_start3A_273 : memref<2000000x64xf32, #tpu.memory_space<hbm>>) target(%dma_start3A_267 : memref<100x64xf32, #tpu.memory_space<vmem>>) offsets(%dma_start3A_270 : memref<100xi32, #tpu.memory_space<vmem>>) semaphore(%dma_start3A_275 : memref<!tpu.dma_semaphore, #tpu.memory_space<semaphore_mem>>)
        } else {
        }
      } else {
      }
      %jit3A_80 = arith.constant 4 : i32
      %eq3A_81 = arith.constant 0 : i32
      %eq3A_82 = arith.cmpi eq, %jit3A_80, %eq3A_81 : i32
      %jit3A_83 = arith.constant 1 : i32
      %select_n3A_84 = arith.select %eq3A_82, %jit3A_83, %jit3A_80 : i32
      %rem3A_85 = arith.remsi %scan3A_67, %select_n3A_84 : i32
      %ne3A_86 = arith.constant 0 : i32
      %ne3A_87 = arith.cmpi ne, %rem3A_85, %ne3A_86 : i32
      %lt3A_88 = arith.constant 0 : i32
      %lt3A_89 = arith.cmpi slt, %rem3A_85, %lt3A_88 : i32
      %lt3A_90 = arith.constant 0 : i32
      %lt3A_91 = arith.cmpi slt, %select_n3A_84, %lt3A_90 : i32
      %ne3A_92 = arith.xori %lt3A_89, %lt3A_91 : i1
      %and3A_93 = arith.andi %ne3A_92, %ne3A_87 : i1
      %add3A_94 = arith.addi %rem3A_85, %select_n3A_84 : i32
      %select_n3A_95 = arith.select %and3A_93, %add3A_94, %rem3A_85 : i32
      %eq3A_96 = arith.constant 1 : i32
      %eq3A_97 = arith.cmpi eq, %select_n3A_95, %eq3A_96 : i32
      %convert_element_type3A_98 = arith.extui %eq3A_97 : i1 to i32
      %cond3A_99 = arith.constant 0 : i32
      %cond3A_100 = arith.cmpi ne, %convert_element_type3A_98, %cond3A_99 : i32
      scf.if %cond3A_100 {
        %dma_wait3A = arith.constant 1 : i32
        %dma_wait3A_229 = arith.constant 1 : i32
        %dma_wait3A_230 = arith.constant 0 : i32
        %dma_wait3A_231 = arith.constant 0 : i32
        %dma_wait3A_232 = tpu.memref_slice %arg6[%dma_wait3A, %dma_wait3A_230, %dma_wait3A_231] : memref<4x100x64xf32, #tpu.memory_space<vmem>> -> memref<1x100x64xf32, #tpu.memory_space<vmem>>
        %dma_wait3A_233 = tpu.memref_squeeze %dma_wait3A_232 : memref<1x100x64xf32, #tpu.memory_space<vmem>> -> memref<100x64xf32, #tpu.memory_space<vmem>>
        %dma_wait3A_234 = arith.constant 0 : i32
        %dma_wait3A_235 = tpu.memref_slice %arg5[%scan3A_67, %dma_wait3A_234] : memref<64x100xi32, #tpu.memory_space<vmem>> -> memref<1x100xi32, #tpu.memory_space<vmem>>
        %dma_wait3A_236 = tpu.memref_squeeze %dma_wait3A_235 : memref<1x100xi32, #tpu.memory_space<vmem>> -> memref<100xi32, #tpu.memory_space<vmem>>
        %dma_wait3A_237 = arith.constant 0 : i32
        %dma_wait3A_238 = arith.constant 0 : i32
        %dma_wait3A_239 = tpu.memref_slice %arg3[%dma_wait3A_237, %dma_wait3A_238] : memref<2000000x64xf32, #tpu.memory_space<hbm>> -> memref<2000000x64xf32, #tpu.memory_space<hbm>>
        %dma_wait3A_240 = tpu.memref_slice %arg7[%dma_wait3A_229] : memref<4x!tpu.dma_semaphore, #tpu.memory_space<semaphore_mem>> -> memref<1x!tpu.dma_semaphore, #tpu.memory_space<semaphore_mem>>
        %dma_wait3A_241 = tpu.memref_squeeze %dma_wait3A_240 : memref<1x!tpu.dma_semaphore, #tpu.memory_space<semaphore_mem>> -> memref<!tpu.dma_semaphore, #tpu.memory_space<semaphore_mem>>
        tpu.wait_indirect_dma semaphore(%dma_wait3A_241 : memref<!tpu.dma_semaphore, #tpu.memory_space<semaphore_mem>>) src(%dma_wait3A_239 : memref<2000000x64xf32, #tpu.memory_space<hbm>>) dst(%dma_wait3A_233 : memref<100x64xf32, #tpu.memory_space<vmem>>)
        %add3A_242 = arith.addi %mul3A_2, %scan3A_67 : i32
        %mul3A_243 = arith.constant 2 : i32
        %mul3A_244 = arith.muli %mul3A_243, %add3A_242 : i32
        %add3A_245 = arith.constant 0 : i32
        %add3A_246 = arith.addi %mul3A_244, %add3A_245 : i32
        %run_scoped3A = arith.constant 1 : i32
        "tpu.region"() ({
          %run_scoped3A_260 = tpu.sem_alloc : memref<!tpu.dma_semaphore, #tpu.memory_space<semaphore_mem>>
          %dma_start3A_261 = arith.constant 0 : i32
          %dma_start3A_262 = arith.constant 0 : i32
          %dma_start3A_263 = tpu.memref_slice %arg6[%run_scoped3A, %dma_start3A_261, %dma_start3A_262] : memref<4x100x64xf32, #tpu.memory_space<vmem>> -> memref<1x50x64xf32, #tpu.memory_space<vmem>>
          %dma_start3A_264 = tpu.memref_squeeze %dma_start3A_263 : memref<1x50x64xf32, #tpu.memory_space<vmem>> -> memref<50x64xf32, #tpu.memory_space<vmem>>
          %dma_start3A_265 = arith.constant 0 : i32
          %dma_start3A_266 = arith.constant 0 : i32
          %dma_start3A_267 = tpu.memref_slice %arg4[%add3A_246, %dma_start3A_265, %dma_start3A_266] : memref<4096x56x128xf32, #tpu.memory_space<hbm>> -> memref<1x50x64xf32, #tpu.memory_space<hbm>>
          %dma_start3A_268 = tpu.memref_squeeze %dma_start3A_267 : memref<1x50x64xf32, #tpu.memory_space<hbm>> -> memref<50x64xf32, #tpu.memory_space<hbm>>
          %dma_start3A_269 = arith.constant 0 : i32
          %dma_start3A_270 = arith.constant 0 : i32
          %dma_start3A_271 = tpu.memref_slice %arg4[%add3A_246, %dma_start3A_269, %dma_start3A_270] : memref<4096x56x128xf32, #tpu.memory_space<hbm>> -> memref<1x50x64xf32, #tpu.memory_space<hbm>>
          %dma_start3A_272 = tpu.memref_squeeze %dma_start3A_271 : memref<1x50x64xf32, #tpu.memory_space<hbm>> -> memref<50x64xf32, #tpu.memory_space<hbm>>
          %dma_start3A_273 = arith.constant 0 : i32
          %dma_start3A_274 = arith.constant 0 : i32
          %dma_start3A_275 = tpu.memref_slice %arg6[%run_scoped3A, %dma_start3A_273, %dma_start3A_274] : memref<4x100x64xf32, #tpu.memory_space<vmem>> -> memref<1x50x64xf32, #tpu.memory_space<vmem>>
          %dma_start3A_276 = tpu.memref_squeeze %dma_start3A_275 : memref<1x50x64xf32, #tpu.memory_space<vmem>> -> memref<50x64xf32, #tpu.memory_space<vmem>>
          tpu.enqueue_dma source(%dma_start3A_276 : memref<50x64xf32, #tpu.memory_space<vmem>>) target(%dma_start3A_272 : memref<50x64xf32, #tpu.memory_space<hbm>>) target_semaphore(%run_scoped3A_260 : memref<!tpu.dma_semaphore, #tpu.memory_space<semaphore_mem>>)
          %dma_wait3A_277 = arith.constant 0 : i32
          %dma_wait3A_278 = arith.constant 0 : i32
          %dma_wait3A_279 = tpu.memref_slice %arg6[%run_scoped3A, %dma_wait3A_277, %dma_wait3A_278] : memref<4x100x64xf32, #tpu.memory_space<vmem>> -> memref<1x50x64xf32, #tpu.memory_space<vmem>>
          %dma_wait3A_280 = tpu.memref_squeeze %dma_wait3A_279 : memref<1x50x64xf32, #tpu.memory_space<vmem>> -> memref<50x64xf32, #tpu.memory_space<vmem>>
          %dma_wait3A_281 = arith.constant 0 : i32
          %dma_wait3A_282 = arith.constant 0 : i32
          %dma_wait3A_283 = tpu.memref_slice %arg4[%add3A_246, %dma_wait3A_281, %dma_wait3A_282] : memref<4096x56x128xf32, #tpu.memory_space<hbm>> -> memref<1x50x64xf32, #tpu.memory_space<hbm>>
          %dma_wait3A_284 = tpu.memref_squeeze %dma_wait3A_283 : memref<1x50x64xf32, #tpu.memory_space<hbm>> -> memref<50x64xf32, #tpu.memory_space<hbm>>
          %dma_wait3A_285 = arith.constant 0 : i32
          %dma_wait3A_286 = arith.constant 0 : i32
          %dma_wait3A_287 = tpu.memref_slice %arg4[%add3A_246, %dma_wait3A_285, %dma_wait3A_286] : memref<4096x56x128xf32, #tpu.memory_space<hbm>> -> memref<1x50x64xf32, #tpu.memory_space<hbm>>
          %dma_wait3A_288 = tpu.memref_squeeze %dma_wait3A_287 : memref<1x50x64xf32, #tpu.memory_space<hbm>> -> memref<50x64xf32, #tpu.memory_space<hbm>>
          %dma_wait3A_289 = arith.constant 0 : i32
          %dma_wait3A_290 = arith.constant 0 : i32
          %dma_wait3A_291 = tpu.memref_slice %arg6[%run_scoped3A, %dma_wait3A_289, %dma_wait3A_290] : memref<4x100x64xf32, #tpu.memory_space<vmem>> -> memref<1x50x64xf32, #tpu.memory_space<vmem>>
          %dma_wait3A_292 = tpu.memref_squeeze %dma_wait3A_291 : memref<1x50x64xf32, #tpu.memory_space<vmem>> -> memref<50x64xf32, #tpu.memory_space<vmem>>
          tpu.wait_dma2 semaphore(%run_scoped3A_260 : memref<!tpu.dma_semaphore, #tpu.memory_space<semaphore_mem>>) src(%dma_wait3A_292 : memref<50x64xf32, #tpu.memory_space<vmem>>) dst(%dma_wait3A_288 : memref<50x64xf32, #tpu.memory_space<hbm>>)
          tpu.yield
        }) : () -> ()
        %add3A_247 = arith.addi %mul3A_2, %scan3A_67 : i32
        %mul3A_248 = arith.constant 2 : i32
        %mul3A_249 = arith.muli %mul3A_248, %add3A_247 : i32
        %add3A_250 = arith.constant 1 : i32
        %add3A_251 = arith.addi %mul3A_249, %add3A_250 : i32
        %run_scoped3A_252 = arith.constant 1 : i32
        "tpu.region"() ({
          %run_scoped3A_260 = tpu.sem_alloc : memref<!tpu.dma_semaphore, #tpu.memory_space<semaphore_mem>>
          %dma_start3A_261 = arith.constant 50 : i32
          %dma_start3A_262 = arith.constant 0 : i32
          %dma_start3A_263 = tpu.memref_slice %arg6[%run_scoped3A_252, %dma_start3A_261, %dma_start3A_262] : memref<4x100x64xf32, #tpu.memory_space<vmem>> -> memref<1x50x64xf32, #tpu.memory_space<vmem>>
          %dma_start3A_264 = tpu.memref_squeeze %dma_start3A_263 : memref<1x50x64xf32, #tpu.memory_space<vmem>> -> memref<50x64xf32, #tpu.memory_space<vmem>>
          %dma_start3A_265 = arith.constant 0 : i32
          %dma_start3A_266 = arith.constant 0 : i32
          %dma_start3A_267 = tpu.memref_slice %arg4[%add3A_251, %dma_start3A_265, %dma_start3A_266] : memref<4096x56x128xf32, #tpu.memory_space<hbm>> -> memref<1x50x64xf32, #tpu.memory_space<hbm>>
          %dma_start3A_268 = tpu.memref_squeeze %dma_start3A_267 : memref<1x50x64xf32, #tpu.memory_space<hbm>> -> memref<50x64xf32, #tpu.memory_space<hbm>>
          %dma_start3A_269 = arith.constant 0 : i32
          %dma_start3A_270 = arith.constant 0 : i32
          %dma_start3A_271 = tpu.memref_slice %arg4[%add3A_251, %dma_start3A_269, %dma_start3A_270] : memref<4096x56x128xf32, #tpu.memory_space<hbm>> -> memref<1x50x64xf32, #tpu.memory_space<hbm>>
          %dma_start3A_272 = tpu.memref_squeeze %dma_start3A_271 : memref<1x50x64xf32, #tpu.memory_space<hbm>> -> memref<50x64xf32, #tpu.memory_space<hbm>>
          %dma_start3A_273 = arith.constant 50 : i32
          %dma_start3A_274 = arith.constant 0 : i32
          %dma_start3A_275 = tpu.memref_slice %arg6[%run_scoped3A_252, %dma_start3A_273, %dma_start3A_274] : memref<4x100x64xf32, #tpu.memory_space<vmem>> -> memref<1x50x64xf32, #tpu.memory_space<vmem>>
          %dma_start3A_276 = tpu.memref_squeeze %dma_start3A_275 : memref<1x50x64xf32, #tpu.memory_space<vmem>> -> memref<50x64xf32, #tpu.memory_space<vmem>>
          tpu.enqueue_dma source(%dma_start3A_276 : memref<50x64xf32, #tpu.memory_space<vmem>>) target(%dma_start3A_272 : memref<50x64xf32, #tpu.memory_space<hbm>>) target_semaphore(%run_scoped3A_260 : memref<!tpu.dma_semaphore, #tpu.memory_space<semaphore_mem>>)
          %dma_wait3A_277 = arith.constant 50 : i32
          %dma_wait3A_278 = arith.constant 0 : i32
          %dma_wait3A_279 = tpu.memref_slice %arg6[%run_scoped3A_252, %dma_wait3A_277, %dma_wait3A_278] : memref<4x100x64xf32, #tpu.memory_space<vmem>> -> memref<1x50x64xf32, #tpu.memory_space<vmem>>
          %dma_wait3A_280 = tpu.memref_squeeze %dma_wait3A_279 : memref<1x50x64xf32, #tpu.memory_space<vmem>> -> memref<50x64xf32, #tpu.memory_space<vmem>>
          %dma_wait3A_281 = arith.constant 0 : i32
          %dma_wait3A_282 = arith.constant 0 : i32
          %dma_wait3A_283 = tpu.memref_slice %arg4[%add3A_251, %dma_wait3A_281, %dma_wait3A_282] : memref<4096x56x128xf32, #tpu.memory_space<hbm>> -> memref<1x50x64xf32, #tpu.memory_space<hbm>>
          %dma_wait3A_284 = tpu.memref_squeeze %dma_wait3A_283 : memref<1x50x64xf32, #tpu.memory_space<hbm>> -> memref<50x64xf32, #tpu.memory_space<hbm>>
          %dma_wait3A_285 = arith.constant 0 : i32
          %dma_wait3A_286 = arith.constant 0 : i32
          %dma_wait3A_287 = tpu.memref_slice %arg4[%add3A_251, %dma_wait3A_285, %dma_wait3A_286] : memref<4096x56x128xf32, #tpu.memory_space<hbm>> -> memref<1x50x64xf32, #tpu.memory_space<hbm>>
          %dma_wait3A_288 = tpu.memref_squeeze %dma_wait3A_287 : memref<1x50x64xf32, #tpu.memory_space<hbm>> -> memref<50x64xf32, #tpu.memory_space<hbm>>
          %dma_wait3A_289 = arith.constant 50 : i32
          %dma_wait3A_290 = arith.constant 0 : i32
          %dma_wait3A_291 = tpu.memref_slice %arg6[%run_scoped3A_252, %dma_wait3A_289, %dma_wait3A_290] : memref<4x100x64xf32, #tpu.memory_space<vmem>> -> memref<1x50x64xf32, #tpu.memory_space<vmem>>
          %dma_wait3A_292 = tpu.memref_squeeze %dma_wait3A_291 : memref<1x50x64xf32, #tpu.memory_space<vmem>> -> memref<50x64xf32, #tpu.memory_space<vmem>>
          tpu.wait_dma2 semaphore(%run_scoped3A_260 : memref<!tpu.dma_semaphore, #tpu.memory_space<semaphore_mem>>) src(%dma_wait3A_292 : memref<50x64xf32, #tpu.memory_space<vmem>>) dst(%dma_wait3A_288 : memref<50x64xf32, #tpu.memory_space<hbm>>)
          tpu.yield
        }) : () -> ()
        %add3A_253 = arith.constant 4 : i32
        %add3A_254 = arith.addi %scan3A_67, %add3A_253 : i32
        %lt3A_255 = arith.constant 64 : i32
        %lt3A_256 = arith.cmpi slt, %add3A_254, %lt3A_255 : i32
        %convert_element_type3A_257 = arith.extui %lt3A_256 : i1 to i32
        %cond3A_258 = arith.constant 0 : i32
        %cond3A_259 = arith.cmpi ne, %convert_element_type3A_257, %cond3A_258 : i32
        scf.if %cond3A_259 {
          %add3A_260 = arith.constant 4 : i32
          %add3A_261 = arith.addi %scan3A_67, %add3A_260 : i32
          %dma_start3A_262 = arith.constant 1 : i32
          %dma_start3A_263 = arith.constant 1 : i32
          %dma_start3A_264 = arith.constant 0 : i32
          %dma_start3A_265 = arith.constant 0 : i32
          %dma_start3A_266 = tpu.memref_slice %arg6[%dma_start3A_262, %dma_start3A_264, %dma_start3A_265] : memref<4x100x64xf32, #tpu.memory_space<vmem>> -> memref<1x100x64xf32, #tpu.memory_space<vmem>>
          %dma_start3A_267 = tpu.memref_squeeze %dma_start3A_266 : memref<1x100x64xf32, #tpu.memory_space<vmem>> -> memref<100x64xf32, #tpu.memory_space<vmem>>
          %dma_start3A_268 = arith.constant 0 : i32
          %dma_start3A_269 = tpu.memref_slice %arg5[%add3A_261, %dma_start3A_268] : memref<64x100xi32, #tpu.memory_space<vmem>> -> memref<1x100xi32, #tpu.memory_space<vmem>>
          %dma_start3A_270 = tpu.memref_squeeze %dma_start3A_269 : memref<1x100xi32, #tpu.memory_space<vmem>> -> memref<100xi32, #tpu.memory_space<vmem>>
          %dma_start3A_271 = arith.constant 0 : i32
          %dma_start3A_272 = arith.constant 0 : i32
          %dma_start3A_273 = tpu.memref_slice %arg3[%dma_start3A_271, %dma_start3A_272] : memref<2000000x64xf32, #tpu.memory_space<hbm>> -> memref<2000000x64xf32, #tpu.memory_space<hbm>>
          %dma_start3A_274 = tpu.memref_slice %arg7[%dma_start3A_263] : memref<4x!tpu.dma_semaphore, #tpu.memory_space<semaphore_mem>> -> memref<1x!tpu.dma_semaphore, #tpu.memory_space<semaphore_mem>>
          %dma_start3A_275 = tpu.memref_squeeze %dma_start3A_274 : memref<1x!tpu.dma_semaphore, #tpu.memory_space<semaphore_mem>> -> memref<!tpu.dma_semaphore, #tpu.memory_space<semaphore_mem>>
          tpu.enqueue_indirect_dma source(%dma_start3A_273 : memref<2000000x64xf32, #tpu.memory_space<hbm>>) target(%dma_start3A_267 : memref<100x64xf32, #tpu.memory_space<vmem>>) offsets(%dma_start3A_270 : memref<100xi32, #tpu.memory_space<vmem>>) semaphore(%dma_start3A_275 : memref<!tpu.dma_semaphore, #tpu.memory_space<semaphore_mem>>)
        } else {
        }
      } else {
      }
      %jit3A_101 = arith.constant 4 : i32
      %eq3A_102 = arith.constant 0 : i32
      %eq3A_103 = arith.cmpi eq, %jit3A_101, %eq3A_102 : i32
      %jit3A_104 = arith.constant 1 : i32
      %select_n3A_105 = arith.select %eq3A_103, %jit3A_104, %jit3A_101 : i32
      %rem3A_106 = arith.remsi %scan3A_67, %select_n3A_105 : i32
      %ne3A_107 = arith.constant 0 : i32
      %ne3A_108 = arith.cmpi ne, %rem3A_106, %ne3A_107 : i32
      %lt3A_109 = arith.constant 0 : i32
      %lt3A_110 = arith.cmpi slt, %rem3A_106, %lt3A_109 : i32
      %lt3A_111 = arith.constant 0 : i32
      %lt3A_112 = arith.cmpi slt, %select_n3A_105, %lt3A_111 : i32
      %ne3A_113 = arith.xori %lt3A_110, %lt3A_112 : i1
      %and3A_114 = arith.andi %ne3A_113, %ne3A_108 : i1
      %add3A_115 = arith.addi %rem3A_106, %select_n3A_105 : i32
      %select_n3A_116 = arith.select %and3A_114, %add3A_115, %rem3A_106 : i32
      %eq3A_117 = arith.constant 2 : i32
      %eq3A_118 = arith.cmpi eq, %select_n3A_116, %eq3A_117 : i32
      %convert_element_type3A_119 = arith.extui %eq3A_118 : i1 to i32
      %cond3A_120 = arith.constant 0 : i32
      %cond3A_121 = arith.cmpi ne, %convert_element_type3A_119, %cond3A_120 : i32
      scf.if %cond3A_121 {
        %dma_wait3A = arith.constant 2 : i32
        %dma_wait3A_229 = arith.constant 2 : i32
        %dma_wait3A_230 = arith.constant 0 : i32
        %dma_wait3A_231 = arith.constant 0 : i32
        %dma_wait3A_232 = tpu.memref_slice %arg6[%dma_wait3A, %dma_wait3A_230, %dma_wait3A_231] : memref<4x100x64xf32, #tpu.memory_space<vmem>> -> memref<1x100x64xf32, #tpu.memory_space<vmem>>
        %dma_wait3A_233 = tpu.memref_squeeze %dma_wait3A_232 : memref<1x100x64xf32, #tpu.memory_space<vmem>> -> memref<100x64xf32, #tpu.memory_space<vmem>>
        %dma_wait3A_234 = arith.constant 0 : i32
        %dma_wait3A_235 = tpu.memref_slice %arg5[%scan3A_67, %dma_wait3A_234] : memref<64x100xi32, #tpu.memory_space<vmem>> -> memref<1x100xi32, #tpu.memory_space<vmem>>
        %dma_wait3A_236 = tpu.memref_squeeze %dma_wait3A_235 : memref<1x100xi32, #tpu.memory_space<vmem>> -> memref<100xi32, #tpu.memory_space<vmem>>
        %dma_wait3A_237 = arith.constant 0 : i32
        %dma_wait3A_238 = arith.constant 0 : i32
        %dma_wait3A_239 = tpu.memref_slice %arg3[%dma_wait3A_237, %dma_wait3A_238] : memref<2000000x64xf32, #tpu.memory_space<hbm>> -> memref<2000000x64xf32, #tpu.memory_space<hbm>>
        %dma_wait3A_240 = tpu.memref_slice %arg7[%dma_wait3A_229] : memref<4x!tpu.dma_semaphore, #tpu.memory_space<semaphore_mem>> -> memref<1x!tpu.dma_semaphore, #tpu.memory_space<semaphore_mem>>
        %dma_wait3A_241 = tpu.memref_squeeze %dma_wait3A_240 : memref<1x!tpu.dma_semaphore, #tpu.memory_space<semaphore_mem>> -> memref<!tpu.dma_semaphore, #tpu.memory_space<semaphore_mem>>
        tpu.wait_indirect_dma semaphore(%dma_wait3A_241 : memref<!tpu.dma_semaphore, #tpu.memory_space<semaphore_mem>>) src(%dma_wait3A_239 : memref<2000000x64xf32, #tpu.memory_space<hbm>>) dst(%dma_wait3A_233 : memref<100x64xf32, #tpu.memory_space<vmem>>)
        %add3A_242 = arith.addi %mul3A_2, %scan3A_67 : i32
        %mul3A_243 = arith.constant 2 : i32
        %mul3A_244 = arith.muli %mul3A_243, %add3A_242 : i32
        %add3A_245 = arith.constant 0 : i32
        %add3A_246 = arith.addi %mul3A_244, %add3A_245 : i32
        %run_scoped3A = arith.constant 2 : i32
        "tpu.region"() ({
          %run_scoped3A_260 = tpu.sem_alloc : memref<!tpu.dma_semaphore, #tpu.memory_space<semaphore_mem>>
          %dma_start3A_261 = arith.constant 0 : i32
          %dma_start3A_262 = arith.constant 0 : i32
          %dma_start3A_263 = tpu.memref_slice %arg6[%run_scoped3A, %dma_start3A_261, %dma_start3A_262] : memref<4x100x64xf32, #tpu.memory_space<vmem>> -> memref<1x50x64xf32, #tpu.memory_space<vmem>>
          %dma_start3A_264 = tpu.memref_squeeze %dma_start3A_263 : memref<1x50x64xf32, #tpu.memory_space<vmem>> -> memref<50x64xf32, #tpu.memory_space<vmem>>
          %dma_start3A_265 = arith.constant 0 : i32
          %dma_start3A_266 = arith.constant 0 : i32
          %dma_start3A_267 = tpu.memref_slice %arg4[%add3A_246, %dma_start3A_265, %dma_start3A_266] : memref<4096x56x128xf32, #tpu.memory_space<hbm>> -> memref<1x50x64xf32, #tpu.memory_space<hbm>>
          %dma_start3A_268 = tpu.memref_squeeze %dma_start3A_267 : memref<1x50x64xf32, #tpu.memory_space<hbm>> -> memref<50x64xf32, #tpu.memory_space<hbm>>
          %dma_start3A_269 = arith.constant 0 : i32
          %dma_start3A_270 = arith.constant 0 : i32
          %dma_start3A_271 = tpu.memref_slice %arg4[%add3A_246, %dma_start3A_269, %dma_start3A_270] : memref<4096x56x128xf32, #tpu.memory_space<hbm>> -> memref<1x50x64xf32, #tpu.memory_space<hbm>>
          %dma_start3A_272 = tpu.memref_squeeze %dma_start3A_271 : memref<1x50x64xf32, #tpu.memory_space<hbm>> -> memref<50x64xf32, #tpu.memory_space<hbm>>
          %dma_start3A_273 = arith.constant 0 : i32
          %dma_start3A_274 = arith.constant 0 : i32
          %dma_start3A_275 = tpu.memref_slice %arg6[%run_scoped3A, %dma_start3A_273, %dma_start3A_274] : memref<4x100x64xf32, #tpu.memory_space<vmem>> -> memref<1x50x64xf32, #tpu.memory_space<vmem>>
          %dma_start3A_276 = tpu.memref_squeeze %dma_start3A_275 : memref<1x50x64xf32, #tpu.memory_space<vmem>> -> memref<50x64xf32, #tpu.memory_space<vmem>>
          tpu.enqueue_dma source(%dma_start3A_276 : memref<50x64xf32, #tpu.memory_space<vmem>>) target(%dma_start3A_272 : memref<50x64xf32, #tpu.memory_space<hbm>>) target_semaphore(%run_scoped3A_260 : memref<!tpu.dma_semaphore, #tpu.memory_space<semaphore_mem>>)
          %dma_wait3A_277 = arith.constant 0 : i32
          %dma_wait3A_278 = arith.constant 0 : i32
          %dma_wait3A_279 = tpu.memref_slice %arg6[%run_scoped3A, %dma_wait3A_277, %dma_wait3A_278] : memref<4x100x64xf32, #tpu.memory_space<vmem>> -> memref<1x50x64xf32, #tpu.memory_space<vmem>>
          %dma_wait3A_280 = tpu.memref_squeeze %dma_wait3A_279 : memref<1x50x64xf32, #tpu.memory_space<vmem>> -> memref<50x64xf32, #tpu.memory_space<vmem>>
          %dma_wait3A_281 = arith.constant 0 : i32
          %dma_wait3A_282 = arith.constant 0 : i32
          %dma_wait3A_283 = tpu.memref_slice %arg4[%add3A_246, %dma_wait3A_281, %dma_wait3A_282] : memref<4096x56x128xf32, #tpu.memory_space<hbm>> -> memref<1x50x64xf32, #tpu.memory_space<hbm>>
          %dma_wait3A_284 = tpu.memref_squeeze %dma_wait3A_283 : memref<1x50x64xf32, #tpu.memory_space<hbm>> -> memref<50x64xf32, #tpu.memory_space<hbm>>
          %dma_wait3A_285 = arith.constant 0 : i32
          %dma_wait3A_286 = arith.constant 0 : i32
          %dma_wait3A_287 = tpu.memref_slice %arg4[%add3A_246, %dma_wait3A_285, %dma_wait3A_286] : memref<4096x56x128xf32, #tpu.memory_space<hbm>> -> memref<1x50x64xf32, #tpu.memory_space<hbm>>
          %dma_wait3A_288 = tpu.memref_squeeze %dma_wait3A_287 : memref<1x50x64xf32, #tpu.memory_space<hbm>> -> memref<50x64xf32, #tpu.memory_space<hbm>>
          %dma_wait3A_289 = arith.constant 0 : i32
          %dma_wait3A_290 = arith.constant 0 : i32
          %dma_wait3A_291 = tpu.memref_slice %arg6[%run_scoped3A, %dma_wait3A_289, %dma_wait3A_290] : memref<4x100x64xf32, #tpu.memory_space<vmem>> -> memref<1x50x64xf32, #tpu.memory_space<vmem>>
          %dma_wait3A_292 = tpu.memref_squeeze %dma_wait3A_291 : memref<1x50x64xf32, #tpu.memory_space<vmem>> -> memref<50x64xf32, #tpu.memory_space<vmem>>
          tpu.wait_dma2 semaphore(%run_scoped3A_260 : memref<!tpu.dma_semaphore, #tpu.memory_space<semaphore_mem>>) src(%dma_wait3A_292 : memref<50x64xf32, #tpu.memory_space<vmem>>) dst(%dma_wait3A_288 : memref<50x64xf32, #tpu.memory_space<hbm>>)
          tpu.yield
        }) : () -> ()
        %add3A_247 = arith.addi %mul3A_2, %scan3A_67 : i32
        %mul3A_248 = arith.constant 2 : i32
        %mul3A_249 = arith.muli %mul3A_248, %add3A_247 : i32
        %add3A_250 = arith.constant 1 : i32
        %add3A_251 = arith.addi %mul3A_249, %add3A_250 : i32
        %run_scoped3A_252 = arith.constant 2 : i32
        "tpu.region"() ({
          %run_scoped3A_260 = tpu.sem_alloc : memref<!tpu.dma_semaphore, #tpu.memory_space<semaphore_mem>>
          %dma_start3A_261 = arith.constant 50 : i32
          %dma_start3A_262 = arith.constant 0 : i32
          %dma_start3A_263 = tpu.memref_slice %arg6[%run_scoped3A_252, %dma_start3A_261, %dma_start3A_262] : memref<4x100x64xf32, #tpu.memory_space<vmem>> -> memref<1x50x64xf32, #tpu.memory_space<vmem>>
          %dma_start3A_264 = tpu.memref_squeeze %dma_start3A_263 : memref<1x50x64xf32, #tpu.memory_space<vmem>> -> memref<50x64xf32, #tpu.memory_space<vmem>>
          %dma_start3A_265 = arith.constant 0 : i32
          %dma_start3A_266 = arith.constant 0 : i32
          %dma_start3A_267 = tpu.memref_slice %arg4[%add3A_251, %dma_start3A_265, %dma_start3A_266] : memref<4096x56x128xf32, #tpu.memory_space<hbm>> -> memref<1x50x64xf32, #tpu.memory_space<hbm>>
          %dma_start3A_268 = tpu.memref_squeeze %dma_start3A_267 : memref<1x50x64xf32, #tpu.memory_space<hbm>> -> memref<50x64xf32, #tpu.memory_space<hbm>>
          %dma_start3A_269 = arith.constant 0 : i32
          %dma_start3A_270 = arith.constant 0 : i32
          %dma_start3A_271 = tpu.memref_slice %arg4[%add3A_251, %dma_start3A_269, %dma_start3A_270] : memref<4096x56x128xf32, #tpu.memory_space<hbm>> -> memref<1x50x64xf32, #tpu.memory_space<hbm>>
          %dma_start3A_272 = tpu.memref_squeeze %dma_start3A_271 : memref<1x50x64xf32, #tpu.memory_space<hbm>> -> memref<50x64xf32, #tpu.memory_space<hbm>>
          %dma_start3A_273 = arith.constant 50 : i32
          %dma_start3A_274 = arith.constant 0 : i32
          %dma_start3A_275 = tpu.memref_slice %arg6[%run_scoped3A_252, %dma_start3A_273, %dma_start3A_274] : memref<4x100x64xf32, #tpu.memory_space<vmem>> -> memref<1x50x64xf32, #tpu.memory_space<vmem>>
          %dma_start3A_276 = tpu.memref_squeeze %dma_start3A_275 : memref<1x50x64xf32, #tpu.memory_space<vmem>> -> memref<50x64xf32, #tpu.memory_space<vmem>>
          tpu.enqueue_dma source(%dma_start3A_276 : memref<50x64xf32, #tpu.memory_space<vmem>>) target(%dma_start3A_272 : memref<50x64xf32, #tpu.memory_space<hbm>>) target_semaphore(%run_scoped3A_260 : memref<!tpu.dma_semaphore, #tpu.memory_space<semaphore_mem>>)
          %dma_wait3A_277 = arith.constant 50 : i32
          %dma_wait3A_278 = arith.constant 0 : i32
          %dma_wait3A_279 = tpu.memref_slice %arg6[%run_scoped3A_252, %dma_wait3A_277, %dma_wait3A_278] : memref<4x100x64xf32, #tpu.memory_space<vmem>> -> memref<1x50x64xf32, #tpu.memory_space<vmem>>
          %dma_wait3A_280 = tpu.memref_squeeze %dma_wait3A_279 : memref<1x50x64xf32, #tpu.memory_space<vmem>> -> memref<50x64xf32, #tpu.memory_space<vmem>>
          %dma_wait3A_281 = arith.constant 0 : i32
          %dma_wait3A_282 = arith.constant 0 : i32
          %dma_wait3A_283 = tpu.memref_slice %arg4[%add3A_251, %dma_wait3A_281, %dma_wait3A_282] : memref<4096x56x128xf32, #tpu.memory_space<hbm>> -> memref<1x50x64xf32, #tpu.memory_space<hbm>>
          %dma_wait3A_284 = tpu.memref_squeeze %dma_wait3A_283 : memref<1x50x64xf32, #tpu.memory_space<hbm>> -> memref<50x64xf32, #tpu.memory_space<hbm>>
          %dma_wait3A_285 = arith.constant 0 : i32
          %dma_wait3A_286 = arith.constant 0 : i32
          %dma_wait3A_287 = tpu.memref_slice %arg4[%add3A_251, %dma_wait3A_285, %dma_wait3A_286] : memref<4096x56x128xf32, #tpu.memory_space<hbm>> -> memref<1x50x64xf32, #tpu.memory_space<hbm>>
          %dma_wait3A_288 = tpu.memref_squeeze %dma_wait3A_287 : memref<1x50x64xf32, #tpu.memory_space<hbm>> -> memref<50x64xf32, #tpu.memory_space<hbm>>
          %dma_wait3A_289 = arith.constant 50 : i32
          %dma_wait3A_290 = arith.constant 0 : i32
          %dma_wait3A_291 = tpu.memref_slice %arg6[%run_scoped3A_252, %dma_wait3A_289, %dma_wait3A_290] : memref<4x100x64xf32, #tpu.memory_space<vmem>> -> memref<1x50x64xf32, #tpu.memory_space<vmem>>
          %dma_wait3A_292 = tpu.memref_squeeze %dma_wait3A_291 : memref<1x50x64xf32, #tpu.memory_space<vmem>> -> memref<50x64xf32, #tpu.memory_space<vmem>>
          tpu.wait_dma2 semaphore(%run_scoped3A_260 : memref<!tpu.dma_semaphore, #tpu.memory_space<semaphore_mem>>) src(%dma_wait3A_292 : memref<50x64xf32, #tpu.memory_space<vmem>>) dst(%dma_wait3A_288 : memref<50x64xf32, #tpu.memory_space<hbm>>)
          tpu.yield
        }) : () -> ()
        %add3A_253 = arith.constant 4 : i32
        %add3A_254 = arith.addi %scan3A_67, %add3A_253 : i32
        %lt3A_255 = arith.constant 64 : i32
        %lt3A_256 = arith.cmpi slt, %add3A_254, %lt3A_255 : i32
        %convert_element_type3A_257 = arith.extui %lt3A_256 : i1 to i32
        %cond3A_258 = arith.constant 0 : i32
        %cond3A_259 = arith.cmpi ne, %convert_element_type3A_257, %cond3A_258 : i32
        scf.if %cond3A_259 {
          %add3A_260 = arith.constant 4 : i32
          %add3A_261 = arith.addi %scan3A_67, %add3A_260 : i32
          %dma_start3A_262 = arith.constant 2 : i32
          %dma_start3A_263 = arith.constant 2 : i32
          %dma_start3A_264 = arith.constant 0 : i32
          %dma_start3A_265 = arith.constant 0 : i32
          %dma_start3A_266 = tpu.memref_slice %arg6[%dma_start3A_262, %dma_start3A_264, %dma_start3A_265] : memref<4x100x64xf32, #tpu.memory_space<vmem>> -> memref<1x100x64xf32, #tpu.memory_space<vmem>>
          %dma_start3A_267 = tpu.memref_squeeze %dma_start3A_266 : memref<1x100x64xf32, #tpu.memory_space<vmem>> -> memref<100x64xf32, #tpu.memory_space<vmem>>
          %dma_start3A_268 = arith.constant 0 : i32
          %dma_start3A_269 = tpu.memref_slice %arg5[%add3A_261, %dma_start3A_268] : memref<64x100xi32, #tpu.memory_space<vmem>> -> memref<1x100xi32, #tpu.memory_space<vmem>>
          %dma_start3A_270 = tpu.memref_squeeze %dma_start3A_269 : memref<1x100xi32, #tpu.memory_space<vmem>> -> memref<100xi32, #tpu.memory_space<vmem>>
          %dma_start3A_271 = arith.constant 0 : i32
          %dma_start3A_272 = arith.constant 0 : i32
          %dma_start3A_273 = tpu.memref_slice %arg3[%dma_start3A_271, %dma_start3A_272] : memref<2000000x64xf32, #tpu.memory_space<hbm>> -> memref<2000000x64xf32, #tpu.memory_space<hbm>>
          %dma_start3A_274 = tpu.memref_slice %arg7[%dma_start3A_263] : memref<4x!tpu.dma_semaphore, #tpu.memory_space<semaphore_mem>> -> memref<1x!tpu.dma_semaphore, #tpu.memory_space<semaphore_mem>>
          %dma_start3A_275 = tpu.memref_squeeze %dma_start3A_274 : memref<1x!tpu.dma_semaphore, #tpu.memory_space<semaphore_mem>> -> memref<!tpu.dma_semaphore, #tpu.memory_space<semaphore_mem>>
          tpu.enqueue_indirect_dma source(%dma_start3A_273 : memref<2000000x64xf32, #tpu.memory_space<hbm>>) target(%dma_start3A_267 : memref<100x64xf32, #tpu.memory_space<vmem>>) offsets(%dma_start3A_270 : memref<100xi32, #tpu.memory_space<vmem>>) semaphore(%dma_start3A_275 : memref<!tpu.dma_semaphore, #tpu.memory_space<semaphore_mem>>)
        } else {
        }
      } else {
      }
      %jit3A_122 = arith.constant 4 : i32
      %eq3A_123 = arith.constant 0 : i32
      %eq3A_124 = arith.cmpi eq, %jit3A_122, %eq3A_123 : i32
      %jit3A_125 = arith.constant 1 : i32
      %select_n3A_126 = arith.select %eq3A_124, %jit3A_125, %jit3A_122 : i32
      %rem3A_127 = arith.remsi %scan3A_67, %select_n3A_126 : i32
      %ne3A_128 = arith.constant 0 : i32
      %ne3A_129 = arith.cmpi ne, %rem3A_127, %ne3A_128 : i32
      %lt3A_130 = arith.constant 0 : i32
      %lt3A_131 = arith.cmpi slt, %rem3A_127, %lt3A_130 : i32
      %lt3A_132 = arith.constant 0 : i32
      %lt3A_133 = arith.cmpi slt, %select_n3A_126, %lt3A_132 : i32
      %ne3A_134 = arith.xori %lt3A_131, %lt3A_133 : i1
      %and3A_135 = arith.andi %ne3A_134, %ne3A_129 : i1
      %add3A_136 = arith.addi %rem3A_127, %select_n3A_126 : i32
      %select_n3A_137 = arith.select %and3A_135, %add3A_136, %rem3A_127 : i32
      %eq3A_138 = arith.constant 3 : i32
      %eq3A_139 = arith.cmpi eq, %select_n3A_137, %eq3A_138 : i32
      %convert_element_type3A_140 = arith.extui %eq3A_139 : i1 to i32
      %cond3A_141 = arith.constant 0 : i32
      %cond3A_142 = arith.cmpi ne, %convert_element_type3A_140, %cond3A_141 : i32
      scf.if %cond3A_142 {
        %dma_wait3A = arith.constant 3 : i32
        %dma_wait3A_229 = arith.constant 3 : i32
        %dma_wait3A_230 = arith.constant 0 : i32
        %dma_wait3A_231 = arith.constant 0 : i32
        %dma_wait3A_232 = tpu.memref_slice %arg6[%dma_wait3A, %dma_wait3A_230, %dma_wait3A_231] : memref<4x100x64xf32, #tpu.memory_space<vmem>> -> memref<1x100x64xf32, #tpu.memory_space<vmem>>
        %dma_wait3A_233 = tpu.memref_squeeze %dma_wait3A_232 : memref<1x100x64xf32, #tpu.memory_space<vmem>> -> memref<100x64xf32, #tpu.memory_space<vmem>>
        %dma_wait3A_234 = arith.constant 0 : i32
        %dma_wait3A_235 = tpu.memref_slice %arg5[%scan3A_67, %dma_wait3A_234] : memref<64x100xi32, #tpu.memory_space<vmem>> -> memref<1x100xi32, #tpu.memory_space<vmem>>
        %dma_wait3A_236 = tpu.memref_squeeze %dma_wait3A_235 : memref<1x100xi32, #tpu.memory_space<vmem>> -> memref<100xi32, #tpu.memory_space<vmem>>
        %dma_wait3A_237 = arith.constant 0 : i32
        %dma_wait3A_238 = arith.constant 0 : i32
        %dma_wait3A_239 = tpu.memref_slice %arg3[%dma_wait3A_237, %dma_wait3A_238] : memref<2000000x64xf32, #tpu.memory_space<hbm>> -> memref<2000000x64xf32, #tpu.memory_space<hbm>>
        %dma_wait3A_240 = tpu.memref_slice %arg7[%dma_wait3A_229] : memref<4x!tpu.dma_semaphore, #tpu.memory_space<semaphore_mem>> -> memref<1x!tpu.dma_semaphore, #tpu.memory_space<semaphore_mem>>
        %dma_wait3A_241 = tpu.memref_squeeze %dma_wait3A_240 : memref<1x!tpu.dma_semaphore, #tpu.memory_space<semaphore_mem>> -> memref<!tpu.dma_semaphore, #tpu.memory_space<semaphore_mem>>
        tpu.wait_indirect_dma semaphore(%dma_wait3A_241 : memref<!tpu.dma_semaphore, #tpu.memory_space<semaphore_mem>>) src(%dma_wait3A_239 : memref<2000000x64xf32, #tpu.memory_space<hbm>>) dst(%dma_wait3A_233 : memref<100x64xf32, #tpu.memory_space<vmem>>)
        %add3A_242 = arith.addi %mul3A_2, %scan3A_67 : i32
        %mul3A_243 = arith.constant 2 : i32
        %mul3A_244 = arith.muli %mul3A_243, %add3A_242 : i32
        %add3A_245 = arith.constant 0 : i32
        %add3A_246 = arith.addi %mul3A_244, %add3A_245 : i32
        %run_scoped3A = arith.constant 3 : i32
        "tpu.region"() ({
          %run_scoped3A_260 = tpu.sem_alloc : memref<!tpu.dma_semaphore, #tpu.memory_space<semaphore_mem>>
          %dma_start3A_261 = arith.constant 0 : i32
          %dma_start3A_262 = arith.constant 0 : i32
          %dma_start3A_263 = tpu.memref_slice %arg6[%run_scoped3A, %dma_start3A_261, %dma_start3A_262] : memref<4x100x64xf32, #tpu.memory_space<vmem>> -> memref<1x50x64xf32, #tpu.memory_space<vmem>>
          %dma_start3A_264 = tpu.memref_squeeze %dma_start3A_263 : memref<1x50x64xf32, #tpu.memory_space<vmem>> -> memref<50x64xf32, #tpu.memory_space<vmem>>
          %dma_start3A_265 = arith.constant 0 : i32
          %dma_start3A_266 = arith.constant 0 : i32
          %dma_start3A_267 = tpu.memref_slice %arg4[%add3A_246, %dma_start3A_265, %dma_start3A_266] : memref<4096x56x128xf32, #tpu.memory_space<hbm>> -> memref<1x50x64xf32, #tpu.memory_space<hbm>>
          %dma_start3A_268 = tpu.memref_squeeze %dma_start3A_267 : memref<1x50x64xf32, #tpu.memory_space<hbm>> -> memref<50x64xf32, #tpu.memory_space<hbm>>
          %dma_start3A_269 = arith.constant 0 : i32
          %dma_start3A_270 = arith.constant 0 : i32
          %dma_start3A_271 = tpu.memref_slice %arg4[%add3A_246, %dma_start3A_269, %dma_start3A_270] : memref<4096x56x128xf32, #tpu.memory_space<hbm>> -> memref<1x50x64xf32, #tpu.memory_space<hbm>>
          %dma_start3A_272 = tpu.memref_squeeze %dma_start3A_271 : memref<1x50x64xf32, #tpu.memory_space<hbm>> -> memref<50x64xf32, #tpu.memory_space<hbm>>
          %dma_start3A_273 = arith.constant 0 : i32
          %dma_start3A_274 = arith.constant 0 : i32
          %dma_start3A_275 = tpu.memref_slice %arg6[%run_scoped3A, %dma_start3A_273, %dma_start3A_274] : memref<4x100x64xf32, #tpu.memory_space<vmem>> -> memref<1x50x64xf32, #tpu.memory_space<vmem>>
          %dma_start3A_276 = tpu.memref_squeeze %dma_start3A_275 : memref<1x50x64xf32, #tpu.memory_space<vmem>> -> memref<50x64xf32, #tpu.memory_space<vmem>>
          tpu.enqueue_dma source(%dma_start3A_276 : memref<50x64xf32, #tpu.memory_space<vmem>>) target(%dma_start3A_272 : memref<50x64xf32, #tpu.memory_space<hbm>>) target_semaphore(%run_scoped3A_260 : memref<!tpu.dma_semaphore, #tpu.memory_space<semaphore_mem>>)
          %dma_wait3A_277 = arith.constant 0 : i32
          %dma_wait3A_278 = arith.constant 0 : i32
          %dma_wait3A_279 = tpu.memref_slice %arg6[%run_scoped3A, %dma_wait3A_277, %dma_wait3A_278] : memref<4x100x64xf32, #tpu.memory_space<vmem>> -> memref<1x50x64xf32, #tpu.memory_space<vmem>>
          %dma_wait3A_280 = tpu.memref_squeeze %dma_wait3A_279 : memref<1x50x64xf32, #tpu.memory_space<vmem>> -> memref<50x64xf32, #tpu.memory_space<vmem>>
          %dma_wait3A_281 = arith.constant 0 : i32
          %dma_wait3A_282 = arith.constant 0 : i32
          %dma_wait3A_283 = tpu.memref_slice %arg4[%add3A_246, %dma_wait3A_281, %dma_wait3A_282] : memref<4096x56x128xf32, #tpu.memory_space<hbm>> -> memref<1x50x64xf32, #tpu.memory_space<hbm>>
          %dma_wait3A_284 = tpu.memref_squeeze %dma_wait3A_283 : memref<1x50x64xf32, #tpu.memory_space<hbm>> -> memref<50x64xf32, #tpu.memory_space<hbm>>
          %dma_wait3A_285 = arith.constant 0 : i32
          %dma_wait3A_286 = arith.constant 0 : i32
          %dma_wait3A_287 = tpu.memref_slice %arg4[%add3A_246, %dma_wait3A_285, %dma_wait3A_286] : memref<4096x56x128xf32, #tpu.memory_space<hbm>> -> memref<1x50x64xf32, #tpu.memory_space<hbm>>
          %dma_wait3A_288 = tpu.memref_squeeze %dma_wait3A_287 : memref<1x50x64xf32, #tpu.memory_space<hbm>> -> memref<50x64xf32, #tpu.memory_space<hbm>>
          %dma_wait3A_289 = arith.constant 0 : i32
          %dma_wait3A_290 = arith.constant 0 : i32
          %dma_wait3A_291 = tpu.memref_slice %arg6[%run_scoped3A, %dma_wait3A_289, %dma_wait3A_290] : memref<4x100x64xf32, #tpu.memory_space<vmem>> -> memref<1x50x64xf32, #tpu.memory_space<vmem>>
          %dma_wait3A_292 = tpu.memref_squeeze %dma_wait3A_291 : memref<1x50x64xf32, #tpu.memory_space<vmem>> -> memref<50x64xf32, #tpu.memory_space<vmem>>
          tpu.wait_dma2 semaphore(%run_scoped3A_260 : memref<!tpu.dma_semaphore, #tpu.memory_space<semaphore_mem>>) src(%dma_wait3A_292 : memref<50x64xf32, #tpu.memory_space<vmem>>) dst(%dma_wait3A_288 : memref<50x64xf32, #tpu.memory_space<hbm>>)
          tpu.yield
        }) : () -> ()
        %add3A_247 = arith.addi %mul3A_2, %scan3A_67 : i32
        %mul3A_248 = arith.constant 2 : i32
        %mul3A_249 = arith.muli %mul3A_248, %add3A_247 : i32
        %add3A_250 = arith.constant 1 : i32
        %add3A_251 = arith.addi %mul3A_249, %add3A_250 : i32
        %run_scoped3A_252 = arith.constant 3 : i32
        "tpu.region"() ({
          %run_scoped3A_260 = tpu.sem_alloc : memref<!tpu.dma_semaphore, #tpu.memory_space<semaphore_mem>>
          %dma_start3A_261 = arith.constant 50 : i32
          %dma_start3A_262 = arith.constant 0 : i32
          %dma_start3A_263 = tpu.memref_slice %arg6[%run_scoped3A_252, %dma_start3A_261, %dma_start3A_262] : memref<4x100x64xf32, #tpu.memory_space<vmem>> -> memref<1x50x64xf32, #tpu.memory_space<vmem>>
          %dma_start3A_264 = tpu.memref_squeeze %dma_start3A_263 : memref<1x50x64xf32, #tpu.memory_space<vmem>> -> memref<50x64xf32, #tpu.memory_space<vmem>>
          %dma_start3A_265 = arith.constant 0 : i32
          %dma_start3A_266 = arith.constant 0 : i32
          %dma_start3A_267 = tpu.memref_slice %arg4[%add3A_251, %dma_start3A_265, %dma_start3A_266] : memref<4096x56x128xf32, #tpu.memory_space<hbm>> -> memref<1x50x64xf32, #tpu.memory_space<hbm>>
          %dma_start3A_268 = tpu.memref_squeeze %dma_start3A_267 : memref<1x50x64xf32, #tpu.memory_space<hbm>> -> memref<50x64xf32, #tpu.memory_space<hbm>>
          %dma_start3A_269 = arith.constant 0 : i32
          %dma_start3A_270 = arith.constant 0 : i32
          %dma_start3A_271 = tpu.memref_slice %arg4[%add3A_251, %dma_start3A_269, %dma_start3A_270] : memref<4096x56x128xf32, #tpu.memory_space<hbm>> -> memref<1x50x64xf32, #tpu.memory_space<hbm>>
          %dma_start3A_272 = tpu.memref_squeeze %dma_start3A_271 : memref<1x50x64xf32, #tpu.memory_space<hbm>> -> memref<50x64xf32, #tpu.memory_space<hbm>>
          %dma_start3A_273 = arith.constant 50 : i32
          %dma_start3A_274 = arith.constant 0 : i32
          %dma_start3A_275 = tpu.memref_slice %arg6[%run_scoped3A_252, %dma_start3A_273, %dma_start3A_274] : memref<4x100x64xf32, #tpu.memory_space<vmem>> -> memref<1x50x64xf32, #tpu.memory_space<vmem>>
          %dma_start3A_276 = tpu.memref_squeeze %dma_start3A_275 : memref<1x50x64xf32, #tpu.memory_space<vmem>> -> memref<50x64xf32, #tpu.memory_space<vmem>>
          tpu.enqueue_dma source(%dma_start3A_276 : memref<50x64xf32, #tpu.memory_space<vmem>>) target(%dma_start3A_272 : memref<50x64xf32, #tpu.memory_space<hbm>>) target_semaphore(%run_scoped3A_260 : memref<!tpu.dma_semaphore, #tpu.memory_space<semaphore_mem>>)
          %dma_wait3A_277 = arith.constant 50 : i32
          %dma_wait3A_278 = arith.constant 0 : i32
          %dma_wait3A_279 = tpu.memref_slice %arg6[%run_scoped3A_252, %dma_wait3A_277, %dma_wait3A_278] : memref<4x100x64xf32, #tpu.memory_space<vmem>> -> memref<1x50x64xf32, #tpu.memory_space<vmem>>
          %dma_wait3A_280 = tpu.memref_squeeze %dma_wait3A_279 : memref<1x50x64xf32, #tpu.memory_space<vmem>> -> memref<50x64xf32, #tpu.memory_space<vmem>>
          %dma_wait3A_281 = arith.constant 0 : i32
          %dma_wait3A_282 = arith.constant 0 : i32
          %dma_wait3A_283 = tpu.memref_slice %arg4[%add3A_251, %dma_wait3A_281, %dma_wait3A_282] : memref<4096x56x128xf32, #tpu.memory_space<hbm>> -> memref<1x50x64xf32, #tpu.memory_space<hbm>>
          %dma_wait3A_284 = tpu.memref_squeeze %dma_wait3A_283 : memref<1x50x64xf32, #tpu.memory_space<hbm>> -> memref<50x64xf32, #tpu.memory_space<hbm>>
          %dma_wait3A_285 = arith.constant 0 : i32
          %dma_wait3A_286 = arith.constant 0 : i32
          %dma_wait3A_287 = tpu.memref_slice %arg4[%add3A_251, %dma_wait3A_285, %dma_wait3A_286] : memref<4096x56x128xf32, #tpu.memory_space<hbm>> -> memref<1x50x64xf32, #tpu.memory_space<hbm>>
          %dma_wait3A_288 = tpu.memref_squeeze %dma_wait3A_287 : memref<1x50x64xf32, #tpu.memory_space<hbm>> -> memref<50x64xf32, #tpu.memory_space<hbm>>
          %dma_wait3A_289 = arith.constant 50 : i32
          %dma_wait3A_290 = arith.constant 0 : i32
          %dma_wait3A_291 = tpu.memref_slice %arg6[%run_scoped3A_252, %dma_wait3A_289, %dma_wait3A_290] : memref<4x100x64xf32, #tpu.memory_space<vmem>> -> memref<1x50x64xf32, #tpu.memory_space<vmem>>
          %dma_wait3A_292 = tpu.memref_squeeze %dma_wait3A_291 : memref<1x50x64xf32, #tpu.memory_space<vmem>> -> memref<50x64xf32, #tpu.memory_space<vmem>>
          tpu.wait_dma2 semaphore(%run_scoped3A_260 : memref<!tpu.dma_semaphore, #tpu.memory_space<semaphore_mem>>) src(%dma_wait3A_292 : memref<50x64xf32, #tpu.memory_space<vmem>>) dst(%dma_wait3A_288 : memref<50x64xf32, #tpu.memory_space<hbm>>)
          tpu.yield
        }) : () -> ()
        %add3A_253 = arith.constant 4 : i32
        %add3A_254 = arith.addi %scan3A_67, %add3A_253 : i32
        %lt3A_255 = arith.constant 64 : i32
        %lt3A_256 = arith.cmpi slt, %add3A_254, %lt3A_255 : i32
        %convert_element_type3A_257 = arith.extui %lt3A_256 : i1 to i32
        %cond3A_258 = arith.constant 0 : i32
        %cond3A_259 = arith.cmpi ne, %convert_element_type3A_257, %cond3A_258 : i32
        scf.if %cond3A_259 {
          %add3A_260 = arith.constant 4 : i32
          %add3A_261 = arith.addi %scan3A_67, %add3A_260 : i32
          %dma_start3A_262 = arith.constant 3 : i32
          %dma_start3A_263 = arith.constant 3 : i32
          %dma_start3A_264 = arith.constant 0 : i32
          %dma_start3A_265 = arith.constant 0 : i32
          %dma_start3A_266 = tpu.memref_slice %arg6[%dma_start3A_262, %dma_start3A_264, %dma_start3A_265] : memref<4x100x64xf32, #tpu.memory_space<vmem>> -> memref<1x100x64xf32, #tpu.memory_space<vmem>>
          %dma_start3A_267 = tpu.memref_squeeze %dma_start3A_266 : memref<1x100x64xf32, #tpu.memory_space<vmem>> -> memref<100x64xf32, #tpu.memory_space<vmem>>
          %dma_start3A_268 = arith.constant 0 : i32
          %dma_start3A_269 = tpu.memref_slice %arg5[%add3A_261, %dma_start3A_268] : memref<64x100xi32, #tpu.memory_space<vmem>> -> memref<1x100xi32, #tpu.memory_space<vmem>>
          %dma_start3A_270 = tpu.memref_squeeze %dma_start3A_269 : memref<1x100xi32, #tpu.memory_space<vmem>> -> memref<100xi32, #tpu.memory_space<vmem>>
          %dma_start3A_271 = arith.constant 0 : i32
          %dma_start3A_272 = arith.constant 0 : i32
          %dma_start3A_273 = tpu.memref_slice %arg3[%dma_start3A_271, %dma_start3A_272] : memref<2000000x64xf32, #tpu.memory_space<hbm>> -> memref<2000000x64xf32, #tpu.memory_space<hbm>>
          %dma_start3A_274 = tpu.memref_slice %arg7[%dma_start3A_263] : memref<4x!tpu.dma_semaphore, #tpu.memory_space<semaphore_mem>> -> memref<1x!tpu.dma_semaphore, #tpu.memory_space<semaphore_mem>>
          %dma_start3A_275 = tpu.memref_squeeze %dma_start3A_274 : memref<1x!tpu.dma_semaphore, #tpu.memory_space<semaphore_mem>> -> memref<!tpu.dma_semaphore, #tpu.memory_space<semaphore_mem>>
          tpu.enqueue_indirect_dma source(%dma_start3A_273 : memref<2000000x64xf32, #tpu.memory_space<hbm>>) target(%dma_start3A_267 : memref<100x64xf32, #tpu.memory_space<vmem>>) offsets(%dma_start3A_270 : memref<100xi32, #tpu.memory_space<vmem>>) semaphore(%dma_start3A_275 : memref<!tpu.dma_semaphore, #tpu.memory_space<semaphore_mem>>)
        } else {
        }
      } else {
      }
      %scan3A_143 = arith.constant 1 : i32
      %scan3A_144 = arith.addi %scan3A_67, %scan3A_143 : i32
      %jit3A_145 = arith.constant 4 : i32
      %eq3A_146 = arith.constant 0 : i32
      %eq3A_147 = arith.cmpi eq, %jit3A_145, %eq3A_146 : i32
      %jit3A_148 = arith.constant 1 : i32
      %select_n3A_149 = arith.select %eq3A_147, %jit3A_148, %jit3A_145 : i32
      %rem3A_150 = arith.remsi %scan3A_144, %select_n3A_149 : i32
      %ne3A_151 = arith.constant 0 : i32
      %ne3A_152 = arith.cmpi ne, %rem3A_150, %ne3A_151 : i32
      %lt3A_153 = arith.constant 0 : i32
      %lt3A_154 = arith.cmpi slt, %rem3A_150, %lt3A_153 : i32
      %lt3A_155 = arith.constant 0 : i32
      %lt3A_156 = arith.cmpi slt, %select_n3A_149, %lt3A_155 : i32
      %ne3A_157 = arith.xori %lt3A_154, %lt3A_156 : i1
      %and3A_158 = arith.andi %ne3A_157, %ne3A_152 : i1
      %add3A_159 = arith.addi %rem3A_150, %select_n3A_149 : i32
      %select_n3A_160 = arith.select %and3A_158, %add3A_159, %rem3A_150 : i32
      %eq3A_161 = arith.constant 0 : i32
      %eq3A_162 = arith.cmpi eq, %select_n3A_160, %eq3A_161 : i32
      %convert_element_type3A_163 = arith.extui %eq3A_162 : i1 to i32
      %cond3A_164 = arith.constant 0 : i32
      %cond3A_165 = arith.cmpi ne, %convert_element_type3A_163, %cond3A_164 : i32
      scf.if %cond3A_165 {
        %dma_wait3A = arith.constant 0 : i32
        %dma_wait3A_229 = arith.constant 0 : i32
        %dma_wait3A_230 = arith.constant 0 : i32
        %dma_wait3A_231 = arith.constant 0 : i32
        %dma_wait3A_232 = tpu.memref_slice %arg6[%dma_wait3A, %dma_wait3A_230, %dma_wait3A_231] : memref<4x100x64xf32, #tpu.memory_space<vmem>> -> memref<1x100x64xf32, #tpu.memory_space<vmem>>
        %dma_wait3A_233 = tpu.memref_squeeze %dma_wait3A_232 : memref<1x100x64xf32, #tpu.memory_space<vmem>> -> memref<100x64xf32, #tpu.memory_space<vmem>>
        %dma_wait3A_234 = arith.constant 0 : i32
        %dma_wait3A_235 = tpu.memref_slice %arg5[%scan3A_144, %dma_wait3A_234] : memref<64x100xi32, #tpu.memory_space<vmem>> -> memref<1x100xi32, #tpu.memory_space<vmem>>
        %dma_wait3A_236 = tpu.memref_squeeze %dma_wait3A_235 : memref<1x100xi32, #tpu.memory_space<vmem>> -> memref<100xi32, #tpu.memory_space<vmem>>
        %dma_wait3A_237 = arith.constant 0 : i32
        %dma_wait3A_238 = arith.constant 0 : i32
        %dma_wait3A_239 = tpu.memref_slice %arg3[%dma_wait3A_237, %dma_wait3A_238] : memref<2000000x64xf32, #tpu.memory_space<hbm>> -> memref<2000000x64xf32, #tpu.memory_space<hbm>>
        %dma_wait3A_240 = tpu.memref_slice %arg7[%dma_wait3A_229] : memref<4x!tpu.dma_semaphore, #tpu.memory_space<semaphore_mem>> -> memref<1x!tpu.dma_semaphore, #tpu.memory_space<semaphore_mem>>
        %dma_wait3A_241 = tpu.memref_squeeze %dma_wait3A_240 : memref<1x!tpu.dma_semaphore, #tpu.memory_space<semaphore_mem>> -> memref<!tpu.dma_semaphore, #tpu.memory_space<semaphore_mem>>
        tpu.wait_indirect_dma semaphore(%dma_wait3A_241 : memref<!tpu.dma_semaphore, #tpu.memory_space<semaphore_mem>>) src(%dma_wait3A_239 : memref<2000000x64xf32, #tpu.memory_space<hbm>>) dst(%dma_wait3A_233 : memref<100x64xf32, #tpu.memory_space<vmem>>)
        %add3A_242 = arith.addi %mul3A_2, %scan3A_144 : i32
        %mul3A_243 = arith.constant 2 : i32
        %mul3A_244 = arith.muli %mul3A_243, %add3A_242 : i32
        %add3A_245 = arith.constant 0 : i32
        %add3A_246 = arith.addi %mul3A_244, %add3A_245 : i32
        %run_scoped3A = arith.constant 0 : i32
        "tpu.region"() ({
          %run_scoped3A_260 = tpu.sem_alloc : memref<!tpu.dma_semaphore, #tpu.memory_space<semaphore_mem>>
          %dma_start3A_261 = arith.constant 0 : i32
          %dma_start3A_262 = arith.constant 0 : i32
          %dma_start3A_263 = tpu.memref_slice %arg6[%run_scoped3A, %dma_start3A_261, %dma_start3A_262] : memref<4x100x64xf32, #tpu.memory_space<vmem>> -> memref<1x50x64xf32, #tpu.memory_space<vmem>>
          %dma_start3A_264 = tpu.memref_squeeze %dma_start3A_263 : memref<1x50x64xf32, #tpu.memory_space<vmem>> -> memref<50x64xf32, #tpu.memory_space<vmem>>
          %dma_start3A_265 = arith.constant 0 : i32
          %dma_start3A_266 = arith.constant 0 : i32
          %dma_start3A_267 = tpu.memref_slice %arg4[%add3A_246, %dma_start3A_265, %dma_start3A_266] : memref<4096x56x128xf32, #tpu.memory_space<hbm>> -> memref<1x50x64xf32, #tpu.memory_space<hbm>>
          %dma_start3A_268 = tpu.memref_squeeze %dma_start3A_267 : memref<1x50x64xf32, #tpu.memory_space<hbm>> -> memref<50x64xf32, #tpu.memory_space<hbm>>
          %dma_start3A_269 = arith.constant 0 : i32
          %dma_start3A_270 = arith.constant 0 : i32
          %dma_start3A_271 = tpu.memref_slice %arg4[%add3A_246, %dma_start3A_269, %dma_start3A_270] : memref<4096x56x128xf32, #tpu.memory_space<hbm>> -> memref<1x50x64xf32, #tpu.memory_space<hbm>>
          %dma_start3A_272 = tpu.memref_squeeze %dma_start3A_271 : memref<1x50x64xf32, #tpu.memory_space<hbm>> -> memref<50x64xf32, #tpu.memory_space<hbm>>
          %dma_start3A_273 = arith.constant 0 : i32
          %dma_start3A_274 = arith.constant 0 : i32
          %dma_start3A_275 = tpu.memref_slice %arg6[%run_scoped3A, %dma_start3A_273, %dma_start3A_274] : memref<4x100x64xf32, #tpu.memory_space<vmem>> -> memref<1x50x64xf32, #tpu.memory_space<vmem>>
          %dma_start3A_276 = tpu.memref_squeeze %dma_start3A_275 : memref<1x50x64xf32, #tpu.memory_space<vmem>> -> memref<50x64xf32, #tpu.memory_space<vmem>>
          tpu.enqueue_dma source(%dma_start3A_276 : memref<50x64xf32, #tpu.memory_space<vmem>>) target(%dma_start3A_272 : memref<50x64xf32, #tpu.memory_space<hbm>>) target_semaphore(%run_scoped3A_260 : memref<!tpu.dma_semaphore, #tpu.memory_space<semaphore_mem>>)
          %dma_wait3A_277 = arith.constant 0 : i32
          %dma_wait3A_278 = arith.constant 0 : i32
          %dma_wait3A_279 = tpu.memref_slice %arg6[%run_scoped3A, %dma_wait3A_277, %dma_wait3A_278] : memref<4x100x64xf32, #tpu.memory_space<vmem>> -> memref<1x50x64xf32, #tpu.memory_space<vmem>>
          %dma_wait3A_280 = tpu.memref_squeeze %dma_wait3A_279 : memref<1x50x64xf32, #tpu.memory_space<vmem>> -> memref<50x64xf32, #tpu.memory_space<vmem>>
          %dma_wait3A_281 = arith.constant 0 : i32
          %dma_wait3A_282 = arith.constant 0 : i32
          %dma_wait3A_283 = tpu.memref_slice %arg4[%add3A_246, %dma_wait3A_281, %dma_wait3A_282] : memref<4096x56x128xf32, #tpu.memory_space<hbm>> -> memref<1x50x64xf32, #tpu.memory_space<hbm>>
          %dma_wait3A_284 = tpu.memref_squeeze %dma_wait3A_283 : memref<1x50x64xf32, #tpu.memory_space<hbm>> -> memref<50x64xf32, #tpu.memory_space<hbm>>
          %dma_wait3A_285 = arith.constant 0 : i32
          %dma_wait3A_286 = arith.constant 0 : i32
          %dma_wait3A_287 = tpu.memref_slice %arg4[%add3A_246, %dma_wait3A_285, %dma_wait3A_286] : memref<4096x56x128xf32, #tpu.memory_space<hbm>> -> memref<1x50x64xf32, #tpu.memory_space<hbm>>
          %dma_wait3A_288 = tpu.memref_squeeze %dma_wait3A_287 : memref<1x50x64xf32, #tpu.memory_space<hbm>> -> memref<50x64xf32, #tpu.memory_space<hbm>>
          %dma_wait3A_289 = arith.constant 0 : i32
          %dma_wait3A_290 = arith.constant 0 : i32
          %dma_wait3A_291 = tpu.memref_slice %arg6[%run_scoped3A, %dma_wait3A_289, %dma_wait3A_290] : memref<4x100x64xf32, #tpu.memory_space<vmem>> -> memref<1x50x64xf32, #tpu.memory_space<vmem>>
          %dma_wait3A_292 = tpu.memref_squeeze %dma_wait3A_291 : memref<1x50x64xf32, #tpu.memory_space<vmem>> -> memref<50x64xf32, #tpu.memory_space<vmem>>
          tpu.wait_dma2 semaphore(%run_scoped3A_260 : memref<!tpu.dma_semaphore, #tpu.memory_space<semaphore_mem>>) src(%dma_wait3A_292 : memref<50x64xf32, #tpu.memory_space<vmem>>) dst(%dma_wait3A_288 : memref<50x64xf32, #tpu.memory_space<hbm>>)
          tpu.yield
        }) : () -> ()
        %add3A_247 = arith.addi %mul3A_2, %scan3A_144 : i32
        %mul3A_248 = arith.constant 2 : i32
        %mul3A_249 = arith.muli %mul3A_248, %add3A_247 : i32
        %add3A_250 = arith.constant 1 : i32
        %add3A_251 = arith.addi %mul3A_249, %add3A_250 : i32
        %run_scoped3A_252 = arith.constant 0 : i32
        "tpu.region"() ({
          %run_scoped3A_260 = tpu.sem_alloc : memref<!tpu.dma_semaphore, #tpu.memory_space<semaphore_mem>>
          %dma_start3A_261 = arith.constant 50 : i32
          %dma_start3A_262 = arith.constant 0 : i32
          %dma_start3A_263 = tpu.memref_slice %arg6[%run_scoped3A_252, %dma_start3A_261, %dma_start3A_262] : memref<4x100x64xf32, #tpu.memory_space<vmem>> -> memref<1x50x64xf32, #tpu.memory_space<vmem>>
          %dma_start3A_264 = tpu.memref_squeeze %dma_start3A_263 : memref<1x50x64xf32, #tpu.memory_space<vmem>> -> memref<50x64xf32, #tpu.memory_space<vmem>>
          %dma_start3A_265 = arith.constant 0 : i32
          %dma_start3A_266 = arith.constant 0 : i32
          %dma_start3A_267 = tpu.memref_slice %arg4[%add3A_251, %dma_start3A_265, %dma_start3A_266] : memref<4096x56x128xf32, #tpu.memory_space<hbm>> -> memref<1x50x64xf32, #tpu.memory_space<hbm>>
          %dma_start3A_268 = tpu.memref_squeeze %dma_start3A_267 : memref<1x50x64xf32, #tpu.memory_space<hbm>> -> memref<50x64xf32, #tpu.memory_space<hbm>>
          %dma_start3A_269 = arith.constant 0 : i32
          %dma_start3A_270 = arith.constant 0 : i32
          %dma_start3A_271 = tpu.memref_slice %arg4[%add3A_251, %dma_start3A_269, %dma_start3A_270] : memref<4096x56x128xf32, #tpu.memory_space<hbm>> -> memref<1x50x64xf32, #tpu.memory_space<hbm>>
          %dma_start3A_272 = tpu.memref_squeeze %dma_start3A_271 : memref<1x50x64xf32, #tpu.memory_space<hbm>> -> memref<50x64xf32, #tpu.memory_space<hbm>>
          %dma_start3A_273 = arith.constant 50 : i32
          %dma_start3A_274 = arith.constant 0 : i32
          %dma_start3A_275 = tpu.memref_slice %arg6[%run_scoped3A_252, %dma_start3A_273, %dma_start3A_274] : memref<4x100x64xf32, #tpu.memory_space<vmem>> -> memref<1x50x64xf32, #tpu.memory_space<vmem>>
          %dma_start3A_276 = tpu.memref_squeeze %dma_start3A_275 : memref<1x50x64xf32, #tpu.memory_space<vmem>> -> memref<50x64xf32, #tpu.memory_space<vmem>>
          tpu.enqueue_dma source(%dma_start3A_276 : memref<50x64xf32, #tpu.memory_space<vmem>>) target(%dma_start3A_272 : memref<50x64xf32, #tpu.memory_space<hbm>>) target_semaphore(%run_scoped3A_260 : memref<!tpu.dma_semaphore, #tpu.memory_space<semaphore_mem>>)
          %dma_wait3A_277 = arith.constant 50 : i32
          %dma_wait3A_278 = arith.constant 0 : i32
          %dma_wait3A_279 = tpu.memref_slice %arg6[%run_scoped3A_252, %dma_wait3A_277, %dma_wait3A_278] : memref<4x100x64xf32, #tpu.memory_space<vmem>> -> memref<1x50x64xf32, #tpu.memory_space<vmem>>
          %dma_wait3A_280 = tpu.memref_squeeze %dma_wait3A_279 : memref<1x50x64xf32, #tpu.memory_space<vmem>> -> memref<50x64xf32, #tpu.memory_space<vmem>>
          %dma_wait3A_281 = arith.constant 0 : i32
          %dma_wait3A_282 = arith.constant 0 : i32
          %dma_wait3A_283 = tpu.memref_slice %arg4[%add3A_251, %dma_wait3A_281, %dma_wait3A_282] : memref<4096x56x128xf32, #tpu.memory_space<hbm>> -> memref<1x50x64xf32, #tpu.memory_space<hbm>>
          %dma_wait3A_284 = tpu.memref_squeeze %dma_wait3A_283 : memref<1x50x64xf32, #tpu.memory_space<hbm>> -> memref<50x64xf32, #tpu.memory_space<hbm>>
          %dma_wait3A_285 = arith.constant 0 : i32
          %dma_wait3A_286 = arith.constant 0 : i32
          %dma_wait3A_287 = tpu.memref_slice %arg4[%add3A_251, %dma_wait3A_285, %dma_wait3A_286] : memref<4096x56x128xf32, #tpu.memory_space<hbm>> -> memref<1x50x64xf32, #tpu.memory_space<hbm>>
          %dma_wait3A_288 = tpu.memref_squeeze %dma_wait3A_287 : memref<1x50x64xf32, #tpu.memory_space<hbm>> -> memref<50x64xf32, #tpu.memory_space<hbm>>
          %dma_wait3A_289 = arith.constant 50 : i32
          %dma_wait3A_290 = arith.constant 0 : i32
          %dma_wait3A_291 = tpu.memref_slice %arg6[%run_scoped3A_252, %dma_wait3A_289, %dma_wait3A_290] : memref<4x100x64xf32, #tpu.memory_space<vmem>> -> memref<1x50x64xf32, #tpu.memory_space<vmem>>
          %dma_wait3A_292 = tpu.memref_squeeze %dma_wait3A_291 : memref<1x50x64xf32, #tpu.memory_space<vmem>> -> memref<50x64xf32, #tpu.memory_space<vmem>>
          tpu.wait_dma2 semaphore(%run_scoped3A_260 : memref<!tpu.dma_semaphore, #tpu.memory_space<semaphore_mem>>) src(%dma_wait3A_292 : memref<50x64xf32, #tpu.memory_space<vmem>>) dst(%dma_wait3A_288 : memref<50x64xf32, #tpu.memory_space<hbm>>)
          tpu.yield
        }) : () -> ()
        %add3A_253 = arith.constant 4 : i32
        %add3A_254 = arith.addi %scan3A_144, %add3A_253 : i32
        %lt3A_255 = arith.constant 64 : i32
        %lt3A_256 = arith.cmpi slt, %add3A_254, %lt3A_255 : i32
        %convert_element_type3A_257 = arith.extui %lt3A_256 : i1 to i32
        %cond3A_258 = arith.constant 0 : i32
        %cond3A_259 = arith.cmpi ne, %convert_element_type3A_257, %cond3A_258 : i32
        scf.if %cond3A_259 {
          %add3A_260 = arith.constant 4 : i32
          %add3A_261 = arith.addi %scan3A_144, %add3A_260 : i32
          %dma_start3A_262 = arith.constant 0 : i32
          %dma_start3A_263 = arith.constant 0 : i32
          %dma_start3A_264 = arith.constant 0 : i32
          %dma_start3A_265 = arith.constant 0 : i32
          %dma_start3A_266 = tpu.memref_slice %arg6[%dma_start3A_262, %dma_start3A_264, %dma_start3A_265] : memref<4x100x64xf32, #tpu.memory_space<vmem>> -> memref<1x100x64xf32, #tpu.memory_space<vmem>>
          %dma_start3A_267 = tpu.memref_squeeze %dma_start3A_266 : memref<1x100x64xf32, #tpu.memory_space<vmem>> -> memref<100x64xf32, #tpu.memory_space<vmem>>
          %dma_start3A_268 = arith.constant 0 : i32
          %dma_start3A_269 = tpu.memref_slice %arg5[%add3A_261, %dma_start3A_268] : memref<64x100xi32, #tpu.memory_space<vmem>> -> memref<1x100xi32, #tpu.memory_space<vmem>>
          %dma_start3A_270 = tpu.memref_squeeze %dma_start3A_269 : memref<1x100xi32, #tpu.memory_space<vmem>> -> memref<100xi32, #tpu.memory_space<vmem>>
          %dma_start3A_271 = arith.constant 0 : i32
          %dma_start3A_272 = arith.constant 0 : i32
          %dma_start3A_273 = tpu.memref_slice %arg3[%dma_start3A_271, %dma_start3A_272] : memref<2000000x64xf32, #tpu.memory_space<hbm>> -> memref<2000000x64xf32, #tpu.memory_space<hbm>>
          %dma_start3A_274 = tpu.memref_slice %arg7[%dma_start3A_263] : memref<4x!tpu.dma_semaphore, #tpu.memory_space<semaphore_mem>> -> memref<1x!tpu.dma_semaphore, #tpu.memory_space<semaphore_mem>>
          %dma_start3A_275 = tpu.memref_squeeze %dma_start3A_274 : memref<1x!tpu.dma_semaphore, #tpu.memory_space<semaphore_mem>> -> memref<!tpu.dma_semaphore, #tpu.memory_space<semaphore_mem>>
          tpu.enqueue_indirect_dma source(%dma_start3A_273 : memref<2000000x64xf32, #tpu.memory_space<hbm>>) target(%dma_start3A_267 : memref<100x64xf32, #tpu.memory_space<vmem>>) offsets(%dma_start3A_270 : memref<100xi32, #tpu.memory_space<vmem>>) semaphore(%dma_start3A_275 : memref<!tpu.dma_semaphore, #tpu.memory_space<semaphore_mem>>)
        } else {
        }
      } else {
      }
      %jit3A_166 = arith.constant 4 : i32
      %eq3A_167 = arith.constant 0 : i32
      %eq3A_168 = arith.cmpi eq, %jit3A_166, %eq3A_167 : i32
      %jit3A_169 = arith.constant 1 : i32
      %select_n3A_170 = arith.select %eq3A_168, %jit3A_169, %jit3A_166 : i32
      %rem3A_171 = arith.remsi %scan3A_144, %select_n3A_170 : i32
      %ne3A_172 = arith.constant 0 : i32
      %ne3A_173 = arith.cmpi ne, %rem3A_171, %ne3A_172 : i32
      %lt3A_174 = arith.constant 0 : i32
      %lt3A_175 = arith.cmpi slt, %rem3A_171, %lt3A_174 : i32
      %lt3A_176 = arith.constant 0 : i32
      %lt3A_177 = arith.cmpi slt, %select_n3A_170, %lt3A_176 : i32
      %ne3A_178 = arith.xori %lt3A_175, %lt3A_177 : i1
      %and3A_179 = arith.andi %ne3A_178, %ne3A_173 : i1
      %add3A_180 = arith.addi %rem3A_171, %select_n3A_170 : i32
      %select_n3A_181 = arith.select %and3A_179, %add3A_180, %rem3A_171 : i32
      %eq3A_182 = arith.constant 1 : i32
      %eq3A_183 = arith.cmpi eq, %select_n3A_181, %eq3A_182 : i32
      %convert_element_type3A_184 = arith.extui %eq3A_183 : i1 to i32
      %cond3A_185 = arith.constant 0 : i32
      %cond3A_186 = arith.cmpi ne, %convert_element_type3A_184, %cond3A_185 : i32
      scf.if %cond3A_186 {
        %dma_wait3A = arith.constant 1 : i32
        %dma_wait3A_229 = arith.constant 1 : i32
        %dma_wait3A_230 = arith.constant 0 : i32
        %dma_wait3A_231 = arith.constant 0 : i32
        %dma_wait3A_232 = tpu.memref_slice %arg6[%dma_wait3A, %dma_wait3A_230, %dma_wait3A_231] : memref<4x100x64xf32, #tpu.memory_space<vmem>> -> memref<1x100x64xf32, #tpu.memory_space<vmem>>
        %dma_wait3A_233 = tpu.memref_squeeze %dma_wait3A_232 : memref<1x100x64xf32, #tpu.memory_space<vmem>> -> memref<100x64xf32, #tpu.memory_space<vmem>>
        %dma_wait3A_234 = arith.constant 0 : i32
        %dma_wait3A_235 = tpu.memref_slice %arg5[%scan3A_144, %dma_wait3A_234] : memref<64x100xi32, #tpu.memory_space<vmem>> -> memref<1x100xi32, #tpu.memory_space<vmem>>
        %dma_wait3A_236 = tpu.memref_squeeze %dma_wait3A_235 : memref<1x100xi32, #tpu.memory_space<vmem>> -> memref<100xi32, #tpu.memory_space<vmem>>
        %dma_wait3A_237 = arith.constant 0 : i32
        %dma_wait3A_238 = arith.constant 0 : i32
        %dma_wait3A_239 = tpu.memref_slice %arg3[%dma_wait3A_237, %dma_wait3A_238] : memref<2000000x64xf32, #tpu.memory_space<hbm>> -> memref<2000000x64xf32, #tpu.memory_space<hbm>>
        %dma_wait3A_240 = tpu.memref_slice %arg7[%dma_wait3A_229] : memref<4x!tpu.dma_semaphore, #tpu.memory_space<semaphore_mem>> -> memref<1x!tpu.dma_semaphore, #tpu.memory_space<semaphore_mem>>
        %dma_wait3A_241 = tpu.memref_squeeze %dma_wait3A_240 : memref<1x!tpu.dma_semaphore, #tpu.memory_space<semaphore_mem>> -> memref<!tpu.dma_semaphore, #tpu.memory_space<semaphore_mem>>
        tpu.wait_indirect_dma semaphore(%dma_wait3A_241 : memref<!tpu.dma_semaphore, #tpu.memory_space<semaphore_mem>>) src(%dma_wait3A_239 : memref<2000000x64xf32, #tpu.memory_space<hbm>>) dst(%dma_wait3A_233 : memref<100x64xf32, #tpu.memory_space<vmem>>)
        %add3A_242 = arith.addi %mul3A_2, %scan3A_144 : i32
        %mul3A_243 = arith.constant 2 : i32
        %mul3A_244 = arith.muli %mul3A_243, %add3A_242 : i32
        %add3A_245 = arith.constant 0 : i32
        %add3A_246 = arith.addi %mul3A_244, %add3A_245 : i32
        %run_scoped3A = arith.constant 1 : i32
        "tpu.region"() ({
          %run_scoped3A_260 = tpu.sem_alloc : memref<!tpu.dma_semaphore, #tpu.memory_space<semaphore_mem>>
          %dma_start3A_261 = arith.constant 0 : i32
          %dma_start3A_262 = arith.constant 0 : i32
          %dma_start3A_263 = tpu.memref_slice %arg6[%run_scoped3A, %dma_start3A_261, %dma_start3A_262] : memref<4x100x64xf32, #tpu.memory_space<vmem>> -> memref<1x50x64xf32, #tpu.memory_space<vmem>>
          %dma_start3A_264 = tpu.memref_squeeze %dma_start3A_263 : memref<1x50x64xf32, #tpu.memory_space<vmem>> -> memref<50x64xf32, #tpu.memory_space<vmem>>
          %dma_start3A_265 = arith.constant 0 : i32
          %dma_start3A_266 = arith.constant 0 : i32
          %dma_start3A_267 = tpu.memref_slice %arg4[%add3A_246, %dma_start3A_265, %dma_start3A_266] : memref<4096x56x128xf32, #tpu.memory_space<hbm>> -> memref<1x50x64xf32, #tpu.memory_space<hbm>>
          %dma_start3A_268 = tpu.memref_squeeze %dma_start3A_267 : memref<1x50x64xf32, #tpu.memory_space<hbm>> -> memref<50x64xf32, #tpu.memory_space<hbm>>
          %dma_start3A_269 = arith.constant 0 : i32
          %dma_start3A_270 = arith.constant 0 : i32
          %dma_start3A_271 = tpu.memref_slice %arg4[%add3A_246, %dma_start3A_269, %dma_start3A_270] : memref<4096x56x128xf32, #tpu.memory_space<hbm>> -> memref<1x50x64xf32, #tpu.memory_space<hbm>>
          %dma_start3A_272 = tpu.memref_squeeze %dma_start3A_271 : memref<1x50x64xf32, #tpu.memory_space<hbm>> -> memref<50x64xf32, #tpu.memory_space<hbm>>
          %dma_start3A_273 = arith.constant 0 : i32
          %dma_start3A_274 = arith.constant 0 : i32
          %dma_start3A_275 = tpu.memref_slice %arg6[%run_scoped3A, %dma_start3A_273, %dma_start3A_274] : memref<4x100x64xf32, #tpu.memory_space<vmem>> -> memref<1x50x64xf32, #tpu.memory_space<vmem>>
          %dma_start3A_276 = tpu.memref_squeeze %dma_start3A_275 : memref<1x50x64xf32, #tpu.memory_space<vmem>> -> memref<50x64xf32, #tpu.memory_space<vmem>>
          tpu.enqueue_dma source(%dma_start3A_276 : memref<50x64xf32, #tpu.memory_space<vmem>>) target(%dma_start3A_272 : memref<50x64xf32, #tpu.memory_space<hbm>>) target_semaphore(%run_scoped3A_260 : memref<!tpu.dma_semaphore, #tpu.memory_space<semaphore_mem>>)
          %dma_wait3A_277 = arith.constant 0 : i32
          %dma_wait3A_278 = arith.constant 0 : i32
          %dma_wait3A_279 = tpu.memref_slice %arg6[%run_scoped3A, %dma_wait3A_277, %dma_wait3A_278] : memref<4x100x64xf32, #tpu.memory_space<vmem>> -> memref<1x50x64xf32, #tpu.memory_space<vmem>>
          %dma_wait3A_280 = tpu.memref_squeeze %dma_wait3A_279 : memref<1x50x64xf32, #tpu.memory_space<vmem>> -> memref<50x64xf32, #tpu.memory_space<vmem>>
          %dma_wait3A_281 = arith.constant 0 : i32
          %dma_wait3A_282 = arith.constant 0 : i32
          %dma_wait3A_283 = tpu.memref_slice %arg4[%add3A_246, %dma_wait3A_281, %dma_wait3A_282] : memref<4096x56x128xf32, #tpu.memory_space<hbm>> -> memref<1x50x64xf32, #tpu.memory_space<hbm>>
          %dma_wait3A_284 = tpu.memref_squeeze %dma_wait3A_283 : memref<1x50x64xf32, #tpu.memory_space<hbm>> -> memref<50x64xf32, #tpu.memory_space<hbm>>
          %dma_wait3A_285 = arith.constant 0 : i32
          %dma_wait3A_286 = arith.constant 0 : i32
          %dma_wait3A_287 = tpu.memref_slice %arg4[%add3A_246, %dma_wait3A_285, %dma_wait3A_286] : memref<4096x56x128xf32, #tpu.memory_space<hbm>> -> memref<1x50x64xf32, #tpu.memory_space<hbm>>
          %dma_wait3A_288 = tpu.memref_squeeze %dma_wait3A_287 : memref<1x50x64xf32, #tpu.memory_space<hbm>> -> memref<50x64xf32, #tpu.memory_space<hbm>>
          %dma_wait3A_289 = arith.constant 0 : i32
          %dma_wait3A_290 = arith.constant 0 : i32
          %dma_wait3A_291 = tpu.memref_slice %arg6[%run_scoped3A, %dma_wait3A_289, %dma_wait3A_290] : memref<4x100x64xf32, #tpu.memory_space<vmem>> -> memref<1x50x64xf32, #tpu.memory_space<vmem>>
          %dma_wait3A_292 = tpu.memref_squeeze %dma_wait3A_291 : memref<1x50x64xf32, #tpu.memory_space<vmem>> -> memref<50x64xf32, #tpu.memory_space<vmem>>
          tpu.wait_dma2 semaphore(%run_scoped3A_260 : memref<!tpu.dma_semaphore, #tpu.memory_space<semaphore_mem>>) src(%dma_wait3A_292 : memref<50x64xf32, #tpu.memory_space<vmem>>) dst(%dma_wait3A_288 : memref<50x64xf32, #tpu.memory_space<hbm>>)
          tpu.yield
        }) : () -> ()
        %add3A_247 = arith.addi %mul3A_2, %scan3A_144 : i32
        %mul3A_248 = arith.constant 2 : i32
        %mul3A_249 = arith.muli %mul3A_248, %add3A_247 : i32
        %add3A_250 = arith.constant 1 : i32
        %add3A_251 = arith.addi %mul3A_249, %add3A_250 : i32
        %run_scoped3A_252 = arith.constant 1 : i32
        "tpu.region"() ({
          %run_scoped3A_260 = tpu.sem_alloc : memref<!tpu.dma_semaphore, #tpu.memory_space<semaphore_mem>>
          %dma_start3A_261 = arith.constant 50 : i32
          %dma_start3A_262 = arith.constant 0 : i32
          %dma_start3A_263 = tpu.memref_slice %arg6[%run_scoped3A_252, %dma_start3A_261, %dma_start3A_262] : memref<4x100x64xf32, #tpu.memory_space<vmem>> -> memref<1x50x64xf32, #tpu.memory_space<vmem>>
          %dma_start3A_264 = tpu.memref_squeeze %dma_start3A_263 : memref<1x50x64xf32, #tpu.memory_space<vmem>> -> memref<50x64xf32, #tpu.memory_space<vmem>>
          %dma_start3A_265 = arith.constant 0 : i32
          %dma_start3A_266 = arith.constant 0 : i32
          %dma_start3A_267 = tpu.memref_slice %arg4[%add3A_251, %dma_start3A_265, %dma_start3A_266] : memref<4096x56x128xf32, #tpu.memory_space<hbm>> -> memref<1x50x64xf32, #tpu.memory_space<hbm>>
          %dma_start3A_268 = tpu.memref_squeeze %dma_start3A_267 : memref<1x50x64xf32, #tpu.memory_space<hbm>> -> memref<50x64xf32, #tpu.memory_space<hbm>>
          %dma_start3A_269 = arith.constant 0 : i32
          %dma_start3A_270 = arith.constant 0 : i32
          %dma_start3A_271 = tpu.memref_slice %arg4[%add3A_251, %dma_start3A_269, %dma_start3A_270] : memref<4096x56x128xf32, #tpu.memory_space<hbm>> -> memref<1x50x64xf32, #tpu.memory_space<hbm>>
          %dma_start3A_272 = tpu.memref_squeeze %dma_start3A_271 : memref<1x50x64xf32, #tpu.memory_space<hbm>> -> memref<50x64xf32, #tpu.memory_space<hbm>>
          %dma_start3A_273 = arith.constant 50 : i32
          %dma_start3A_274 = arith.constant 0 : i32
          %dma_start3A_275 = tpu.memref_slice %arg6[%run_scoped3A_252, %dma_start3A_273, %dma_start3A_274] : memref<4x100x64xf32, #tpu.memory_space<vmem>> -> memref<1x50x64xf32, #tpu.memory_space<vmem>>
          %dma_start3A_276 = tpu.memref_squeeze %dma_start3A_275 : memref<1x50x64xf32, #tpu.memory_space<vmem>> -> memref<50x64xf32, #tpu.memory_space<vmem>>
          tpu.enqueue_dma source(%dma_start3A_276 : memref<50x64xf32, #tpu.memory_space<vmem>>) target(%dma_start3A_272 : memref<50x64xf32, #tpu.memory_space<hbm>>) target_semaphore(%run_scoped3A_260 : memref<!tpu.dma_semaphore, #tpu.memory_space<semaphore_mem>>)
          %dma_wait3A_277 = arith.constant 50 : i32
          %dma_wait3A_278 = arith.constant 0 : i32
          %dma_wait3A_279 = tpu.memref_slice %arg6[%run_scoped3A_252, %dma_wait3A_277, %dma_wait3A_278] : memref<4x100x64xf32, #tpu.memory_space<vmem>> -> memref<1x50x64xf32, #tpu.memory_space<vmem>>
          %dma_wait3A_280 = tpu.memref_squeeze %dma_wait3A_279 : memref<1x50x64xf32, #tpu.memory_space<vmem>> -> memref<50x64xf32, #tpu.memory_space<vmem>>
          %dma_wait3A_281 = arith.constant 0 : i32
          %dma_wait3A_282 = arith.constant 0 : i32
          %dma_wait3A_283 = tpu.memref_slice %arg4[%add3A_251, %dma_wait3A_281, %dma_wait3A_282] : memref<4096x56x128xf32, #tpu.memory_space<hbm>> -> memref<1x50x64xf32, #tpu.memory_space<hbm>>
          %dma_wait3A_284 = tpu.memref_squeeze %dma_wait3A_283 : memref<1x50x64xf32, #tpu.memory_space<hbm>> -> memref<50x64xf32, #tpu.memory_space<hbm>>
          %dma_wait3A_285 = arith.constant 0 : i32
          %dma_wait3A_286 = arith.constant 0 : i32
          %dma_wait3A_287 = tpu.memref_slice %arg4[%add3A_251, %dma_wait3A_285, %dma_wait3A_286] : memref<4096x56x128xf32, #tpu.memory_space<hbm>> -> memref<1x50x64xf32, #tpu.memory_space<hbm>>
          %dma_wait3A_288 = tpu.memref_squeeze %dma_wait3A_287 : memref<1x50x64xf32, #tpu.memory_space<hbm>> -> memref<50x64xf32, #tpu.memory_space<hbm>>
          %dma_wait3A_289 = arith.constant 50 : i32
          %dma_wait3A_290 = arith.constant 0 : i32
          %dma_wait3A_291 = tpu.memref_slice %arg6[%run_scoped3A_252, %dma_wait3A_289, %dma_wait3A_290] : memref<4x100x64xf32, #tpu.memory_space<vmem>> -> memref<1x50x64xf32, #tpu.memory_space<vmem>>
          %dma_wait3A_292 = tpu.memref_squeeze %dma_wait3A_291 : memref<1x50x64xf32, #tpu.memory_space<vmem>> -> memref<50x64xf32, #tpu.memory_space<vmem>>
          tpu.wait_dma2 semaphore(%run_scoped3A_260 : memref<!tpu.dma_semaphore, #tpu.memory_space<semaphore_mem>>) src(%dma_wait3A_292 : memref<50x64xf32, #tpu.memory_space<vmem>>) dst(%dma_wait3A_288 : memref<50x64xf32, #tpu.memory_space<hbm>>)
          tpu.yield
        }) : () -> ()
        %add3A_253 = arith.constant 4 : i32
        %add3A_254 = arith.addi %scan3A_144, %add3A_253 : i32
        %lt3A_255 = arith.constant 64 : i32
        %lt3A_256 = arith.cmpi slt, %add3A_254, %lt3A_255 : i32
        %convert_element_type3A_257 = arith.extui %lt3A_256 : i1 to i32
        %cond3A_258 = arith.constant 0 : i32
        %cond3A_259 = arith.cmpi ne, %convert_element_type3A_257, %cond3A_258 : i32
        scf.if %cond3A_259 {
          %add3A_260 = arith.constant 4 : i32
          %add3A_261 = arith.addi %scan3A_144, %add3A_260 : i32
          %dma_start3A_262 = arith.constant 1 : i32
          %dma_start3A_263 = arith.constant 1 : i32
          %dma_start3A_264 = arith.constant 0 : i32
          %dma_start3A_265 = arith.constant 0 : i32
          %dma_start3A_266 = tpu.memref_slice %arg6[%dma_start3A_262, %dma_start3A_264, %dma_start3A_265] : memref<4x100x64xf32, #tpu.memory_space<vmem>> -> memref<1x100x64xf32, #tpu.memory_space<vmem>>
          %dma_start3A_267 = tpu.memref_squeeze %dma_start3A_266 : memref<1x100x64xf32, #tpu.memory_space<vmem>> -> memref<100x64xf32, #tpu.memory_space<vmem>>
          %dma_start3A_268 = arith.constant 0 : i32
          %dma_start3A_269 = tpu.memref_slice %arg5[%add3A_261, %dma_start3A_268] : memref<64x100xi32, #tpu.memory_space<vmem>> -> memref<1x100xi32, #tpu.memory_space<vmem>>
          %dma_start3A_270 = tpu.memref_squeeze %dma_start3A_269 : memref<1x100xi32, #tpu.memory_space<vmem>> -> memref<100xi32, #tpu.memory_space<vmem>>
          %dma_start3A_271 = arith.constant 0 : i32
          %dma_start3A_272 = arith.constant 0 : i32
          %dma_start3A_273 = tpu.memref_slice %arg3[%dma_start3A_271, %dma_start3A_272] : memref<2000000x64xf32, #tpu.memory_space<hbm>> -> memref<2000000x64xf32, #tpu.memory_space<hbm>>
          %dma_start3A_274 = tpu.memref_slice %arg7[%dma_start3A_263] : memref<4x!tpu.dma_semaphore, #tpu.memory_space<semaphore_mem>> -> memref<1x!tpu.dma_semaphore, #tpu.memory_space<semaphore_mem>>
          %dma_start3A_275 = tpu.memref_squeeze %dma_start3A_274 : memref<1x!tpu.dma_semaphore, #tpu.memory_space<semaphore_mem>> -> memref<!tpu.dma_semaphore, #tpu.memory_space<semaphore_mem>>
          tpu.enqueue_indirect_dma source(%dma_start3A_273 : memref<2000000x64xf32, #tpu.memory_space<hbm>>) target(%dma_start3A_267 : memref<100x64xf32, #tpu.memory_space<vmem>>) offsets(%dma_start3A_270 : memref<100xi32, #tpu.memory_space<vmem>>) semaphore(%dma_start3A_275 : memref<!tpu.dma_semaphore, #tpu.memory_space<semaphore_mem>>)
        } else {
        }
      } else {
      }
      %jit3A_187 = arith.constant 4 : i32
      %eq3A_188 = arith.constant 0 : i32
      %eq3A_189 = arith.cmpi eq, %jit3A_187, %eq3A_188 : i32
      %jit3A_190 = arith.constant 1 : i32
      %select_n3A_191 = arith.select %eq3A_189, %jit3A_190, %jit3A_187 : i32
      %rem3A_192 = arith.remsi %scan3A_144, %select_n3A_191 : i32
      %ne3A_193 = arith.constant 0 : i32
      %ne3A_194 = arith.cmpi ne, %rem3A_192, %ne3A_193 : i32
      %lt3A_195 = arith.constant 0 : i32
      %lt3A_196 = arith.cmpi slt, %rem3A_192, %lt3A_195 : i32
      %lt3A_197 = arith.constant 0 : i32
      %lt3A_198 = arith.cmpi slt, %select_n3A_191, %lt3A_197 : i32
      %ne3A_199 = arith.xori %lt3A_196, %lt3A_198 : i1
      %and3A_200 = arith.andi %ne3A_199, %ne3A_194 : i1
      %add3A_201 = arith.addi %rem3A_192, %select_n3A_191 : i32
      %select_n3A_202 = arith.select %and3A_200, %add3A_201, %rem3A_192 : i32
      %eq3A_203 = arith.constant 2 : i32
      %eq3A_204 = arith.cmpi eq, %select_n3A_202, %eq3A_203 : i32
      %convert_element_type3A_205 = arith.extui %eq3A_204 : i1 to i32
      %cond3A_206 = arith.constant 0 : i32
      %cond3A_207 = arith.cmpi ne, %convert_element_type3A_205, %cond3A_206 : i32
      scf.if %cond3A_207 {
        %dma_wait3A = arith.constant 2 : i32
        %dma_wait3A_229 = arith.constant 2 : i32
        %dma_wait3A_230 = arith.constant 0 : i32
        %dma_wait3A_231 = arith.constant 0 : i32
        %dma_wait3A_232 = tpu.memref_slice %arg6[%dma_wait3A, %dma_wait3A_230, %dma_wait3A_231] : memref<4x100x64xf32, #tpu.memory_space<vmem>> -> memref<1x100x64xf32, #tpu.memory_space<vmem>>
        %dma_wait3A_233 = tpu.memref_squeeze %dma_wait3A_232 : memref<1x100x64xf32, #tpu.memory_space<vmem>> -> memref<100x64xf32, #tpu.memory_space<vmem>>
        %dma_wait3A_234 = arith.constant 0 : i32
        %dma_wait3A_235 = tpu.memref_slice %arg5[%scan3A_144, %dma_wait3A_234] : memref<64x100xi32, #tpu.memory_space<vmem>> -> memref<1x100xi32, #tpu.memory_space<vmem>>
        %dma_wait3A_236 = tpu.memref_squeeze %dma_wait3A_235 : memref<1x100xi32, #tpu.memory_space<vmem>> -> memref<100xi32, #tpu.memory_space<vmem>>
        %dma_wait3A_237 = arith.constant 0 : i32
        %dma_wait3A_238 = arith.constant 0 : i32
        %dma_wait3A_239 = tpu.memref_slice %arg3[%dma_wait3A_237, %dma_wait3A_238] : memref<2000000x64xf32, #tpu.memory_space<hbm>> -> memref<2000000x64xf32, #tpu.memory_space<hbm>>
        %dma_wait3A_240 = tpu.memref_slice %arg7[%dma_wait3A_229] : memref<4x!tpu.dma_semaphore, #tpu.memory_space<semaphore_mem>> -> memref<1x!tpu.dma_semaphore, #tpu.memory_space<semaphore_mem>>
        %dma_wait3A_241 = tpu.memref_squeeze %dma_wait3A_240 : memref<1x!tpu.dma_semaphore, #tpu.memory_space<semaphore_mem>> -> memref<!tpu.dma_semaphore, #tpu.memory_space<semaphore_mem>>
        tpu.wait_indirect_dma semaphore(%dma_wait3A_241 : memref<!tpu.dma_semaphore, #tpu.memory_space<semaphore_mem>>) src(%dma_wait3A_239 : memref<2000000x64xf32, #tpu.memory_space<hbm>>) dst(%dma_wait3A_233 : memref<100x64xf32, #tpu.memory_space<vmem>>)
        %add3A_242 = arith.addi %mul3A_2, %scan3A_144 : i32
        %mul3A_243 = arith.constant 2 : i32
        %mul3A_244 = arith.muli %mul3A_243, %add3A_242 : i32
        %add3A_245 = arith.constant 0 : i32
        %add3A_246 = arith.addi %mul3A_244, %add3A_245 : i32
        %run_scoped3A = arith.constant 2 : i32
        "tpu.region"() ({
          %run_scoped3A_260 = tpu.sem_alloc : memref<!tpu.dma_semaphore, #tpu.memory_space<semaphore_mem>>
          %dma_start3A_261 = arith.constant 0 : i32
          %dma_start3A_262 = arith.constant 0 : i32
          %dma_start3A_263 = tpu.memref_slice %arg6[%run_scoped3A, %dma_start3A_261, %dma_start3A_262] : memref<4x100x64xf32, #tpu.memory_space<vmem>> -> memref<1x50x64xf32, #tpu.memory_space<vmem>>
          %dma_start3A_264 = tpu.memref_squeeze %dma_start3A_263 : memref<1x50x64xf32, #tpu.memory_space<vmem>> -> memref<50x64xf32, #tpu.memory_space<vmem>>
          %dma_start3A_265 = arith.constant 0 : i32
          %dma_start3A_266 = arith.constant 0 : i32
          %dma_start3A_267 = tpu.memref_slice %arg4[%add3A_246, %dma_start3A_265, %dma_start3A_266] : memref<4096x56x128xf32, #tpu.memory_space<hbm>> -> memref<1x50x64xf32, #tpu.memory_space<hbm>>
          %dma_start3A_268 = tpu.memref_squeeze %dma_start3A_267 : memref<1x50x64xf32, #tpu.memory_space<hbm>> -> memref<50x64xf32, #tpu.memory_space<hbm>>
          %dma_start3A_269 = arith.constant 0 : i32
          %dma_start3A_270 = arith.constant 0 : i32
          %dma_start3A_271 = tpu.memref_slice %arg4[%add3A_246, %dma_start3A_269, %dma_start3A_270] : memref<4096x56x128xf32, #tpu.memory_space<hbm>> -> memref<1x50x64xf32, #tpu.memory_space<hbm>>
          %dma_start3A_272 = tpu.memref_squeeze %dma_start3A_271 : memref<1x50x64xf32, #tpu.memory_space<hbm>> -> memref<50x64xf32, #tpu.memory_space<hbm>>
          %dma_start3A_273 = arith.constant 0 : i32
          %dma_start3A_274 = arith.constant 0 : i32
          %dma_start3A_275 = tpu.memref_slice %arg6[%run_scoped3A, %dma_start3A_273, %dma_start3A_274] : memref<4x100x64xf32, #tpu.memory_space<vmem>> -> memref<1x50x64xf32, #tpu.memory_space<vmem>>
          %dma_start3A_276 = tpu.memref_squeeze %dma_start3A_275 : memref<1x50x64xf32, #tpu.memory_space<vmem>> -> memref<50x64xf32, #tpu.memory_space<vmem>>
          tpu.enqueue_dma source(%dma_start3A_276 : memref<50x64xf32, #tpu.memory_space<vmem>>) target(%dma_start3A_272 : memref<50x64xf32, #tpu.memory_space<hbm>>) target_semaphore(%run_scoped3A_260 : memref<!tpu.dma_semaphore, #tpu.memory_space<semaphore_mem>>)
          %dma_wait3A_277 = arith.constant 0 : i32
          %dma_wait3A_278 = arith.constant 0 : i32
          %dma_wait3A_279 = tpu.memref_slice %arg6[%run_scoped3A, %dma_wait3A_277, %dma_wait3A_278] : memref<4x100x64xf32, #tpu.memory_space<vmem>> -> memref<1x50x64xf32, #tpu.memory_space<vmem>>
          %dma_wait3A_280 = tpu.memref_squeeze %dma_wait3A_279 : memref<1x50x64xf32, #tpu.memory_space<vmem>> -> memref<50x64xf32, #tpu.memory_space<vmem>>
          %dma_wait3A_281 = arith.constant 0 : i32
          %dma_wait3A_282 = arith.constant 0 : i32
          %dma_wait3A_283 = tpu.memref_slice %arg4[%add3A_246, %dma_wait3A_281, %dma_wait3A_282] : memref<4096x56x128xf32, #tpu.memory_space<hbm>> -> memref<1x50x64xf32, #tpu.memory_space<hbm>>
          %dma_wait3A_284 = tpu.memref_squeeze %dma_wait3A_283 : memref<1x50x64xf32, #tpu.memory_space<hbm>> -> memref<50x64xf32, #tpu.memory_space<hbm>>
          %dma_wait3A_285 = arith.constant 0 : i32
          %dma_wait3A_286 = arith.constant 0 : i32
          %dma_wait3A_287 = tpu.memref_slice %arg4[%add3A_246, %dma_wait3A_285, %dma_wait3A_286] : memref<4096x56x128xf32, #tpu.memory_space<hbm>> -> memref<1x50x64xf32, #tpu.memory_space<hbm>>
          %dma_wait3A_288 = tpu.memref_squeeze %dma_wait3A_287 : memref<1x50x64xf32, #tpu.memory_space<hbm>> -> memref<50x64xf32, #tpu.memory_space<hbm>>
          %dma_wait3A_289 = arith.constant 0 : i32
          %dma_wait3A_290 = arith.constant 0 : i32
          %dma_wait3A_291 = tpu.memref_slice %arg6[%run_scoped3A, %dma_wait3A_289, %dma_wait3A_290] : memref<4x100x64xf32, #tpu.memory_space<vmem>> -> memref<1x50x64xf32, #tpu.memory_space<vmem>>
          %dma_wait3A_292 = tpu.memref_squeeze %dma_wait3A_291 : memref<1x50x64xf32, #tpu.memory_space<vmem>> -> memref<50x64xf32, #tpu.memory_space<vmem>>
          tpu.wait_dma2 semaphore(%run_scoped3A_260 : memref<!tpu.dma_semaphore, #tpu.memory_space<semaphore_mem>>) src(%dma_wait3A_292 : memref<50x64xf32, #tpu.memory_space<vmem>>) dst(%dma_wait3A_288 : memref<50x64xf32, #tpu.memory_space<hbm>>)
          tpu.yield
        }) : () -> ()
        %add3A_247 = arith.addi %mul3A_2, %scan3A_144 : i32
        %mul3A_248 = arith.constant 2 : i32
        %mul3A_249 = arith.muli %mul3A_248, %add3A_247 : i32
        %add3A_250 = arith.constant 1 : i32
        %add3A_251 = arith.addi %mul3A_249, %add3A_250 : i32
        %run_scoped3A_252 = arith.constant 2 : i32
        "tpu.region"() ({
          %run_scoped3A_260 = tpu.sem_alloc : memref<!tpu.dma_semaphore, #tpu.memory_space<semaphore_mem>>
          %dma_start3A_261 = arith.constant 50 : i32
          %dma_start3A_262 = arith.constant 0 : i32
          %dma_start3A_263 = tpu.memref_slice %arg6[%run_scoped3A_252, %dma_start3A_261, %dma_start3A_262] : memref<4x100x64xf32, #tpu.memory_space<vmem>> -> memref<1x50x64xf32, #tpu.memory_space<vmem>>
          %dma_start3A_264 = tpu.memref_squeeze %dma_start3A_263 : memref<1x50x64xf32, #tpu.memory_space<vmem>> -> memref<50x64xf32, #tpu.memory_space<vmem>>
          %dma_start3A_265 = arith.constant 0 : i32
          %dma_start3A_266 = arith.constant 0 : i32
          %dma_start3A_267 = tpu.memref_slice %arg4[%add3A_251, %dma_start3A_265, %dma_start3A_266] : memref<4096x56x128xf32, #tpu.memory_space<hbm>> -> memref<1x50x64xf32, #tpu.memory_space<hbm>>
          %dma_start3A_268 = tpu.memref_squeeze %dma_start3A_267 : memref<1x50x64xf32, #tpu.memory_space<hbm>> -> memref<50x64xf32, #tpu.memory_space<hbm>>
          %dma_start3A_269 = arith.constant 0 : i32
          %dma_start3A_270 = arith.constant 0 : i32
          %dma_start3A_271 = tpu.memref_slice %arg4[%add3A_251, %dma_start3A_269, %dma_start3A_270] : memref<4096x56x128xf32, #tpu.memory_space<hbm>> -> memref<1x50x64xf32, #tpu.memory_space<hbm>>
          %dma_start3A_272 = tpu.memref_squeeze %dma_start3A_271 : memref<1x50x64xf32, #tpu.memory_space<hbm>> -> memref<50x64xf32, #tpu.memory_space<hbm>>
          %dma_start3A_273 = arith.constant 50 : i32
          %dma_start3A_274 = arith.constant 0 : i32
          %dma_start3A_275 = tpu.memref_slice %arg6[%run_scoped3A_252, %dma_start3A_273, %dma_start3A_274] : memref<4x100x64xf32, #tpu.memory_space<vmem>> -> memref<1x50x64xf32, #tpu.memory_space<vmem>>
          %dma_start3A_276 = tpu.memref_squeeze %dma_start3A_275 : memref<1x50x64xf32, #tpu.memory_space<vmem>> -> memref<50x64xf32, #tpu.memory_space<vmem>>
          tpu.enqueue_dma source(%dma_start3A_276 : memref<50x64xf32, #tpu.memory_space<vmem>>) target(%dma_start3A_272 : memref<50x64xf32, #tpu.memory_space<hbm>>) target_semaphore(%run_scoped3A_260 : memref<!tpu.dma_semaphore, #tpu.memory_space<semaphore_mem>>)
          %dma_wait3A_277 = arith.constant 50 : i32
          %dma_wait3A_278 = arith.constant 0 : i32
          %dma_wait3A_279 = tpu.memref_slice %arg6[%run_scoped3A_252, %dma_wait3A_277, %dma_wait3A_278] : memref<4x100x64xf32, #tpu.memory_space<vmem>> -> memref<1x50x64xf32, #tpu.memory_space<vmem>>
          %dma_wait3A_280 = tpu.memref_squeeze %dma_wait3A_279 : memref<1x50x64xf32, #tpu.memory_space<vmem>> -> memref<50x64xf32, #tpu.memory_space<vmem>>
          %dma_wait3A_281 = arith.constant 0 : i32
          %dma_wait3A_282 = arith.constant 0 : i32
          %dma_wait3A_283 = tpu.memref_slice %arg4[%add3A_251, %dma_wait3A_281, %dma_wait3A_282] : memref<4096x56x128xf32, #tpu.memory_space<hbm>> -> memref<1x50x64xf32, #tpu.memory_space<hbm>>
          %dma_wait3A_284 = tpu.memref_squeeze %dma_wait3A_283 : memref<1x50x64xf32, #tpu.memory_space<hbm>> -> memref<50x64xf32, #tpu.memory_space<hbm>>
          %dma_wait3A_285 = arith.constant 0 : i32
          %dma_wait3A_286 = arith.constant 0 : i32
          %dma_wait3A_287 = tpu.memref_slice %arg4[%add3A_251, %dma_wait3A_285, %dma_wait3A_286] : memref<4096x56x128xf32, #tpu.memory_space<hbm>> -> memref<1x50x64xf32, #tpu.memory_space<hbm>>
          %dma_wait3A_288 = tpu.memref_squeeze %dma_wait3A_287 : memref<1x50x64xf32, #tpu.memory_space<hbm>> -> memref<50x64xf32, #tpu.memory_space<hbm>>
          %dma_wait3A_289 = arith.constant 50 : i32
          %dma_wait3A_290 = arith.constant 0 : i32
          %dma_wait3A_291 = tpu.memref_slice %arg6[%run_scoped3A_252, %dma_wait3A_289, %dma_wait3A_290] : memref<4x100x64xf32, #tpu.memory_space<vmem>> -> memref<1x50x64xf32, #tpu.memory_space<vmem>>
          %dma_wait3A_292 = tpu.memref_squeeze %dma_wait3A_291 : memref<1x50x64xf32, #tpu.memory_space<vmem>> -> memref<50x64xf32, #tpu.memory_space<vmem>>
          tpu.wait_dma2 semaphore(%run_scoped3A_260 : memref<!tpu.dma_semaphore, #tpu.memory_space<semaphore_mem>>) src(%dma_wait3A_292 : memref<50x64xf32, #tpu.memory_space<vmem>>) dst(%dma_wait3A_288 : memref<50x64xf32, #tpu.memory_space<hbm>>)
          tpu.yield
        }) : () -> ()
        %add3A_253 = arith.constant 4 : i32
        %add3A_254 = arith.addi %scan3A_144, %add3A_253 : i32
        %lt3A_255 = arith.constant 64 : i32
        %lt3A_256 = arith.cmpi slt, %add3A_254, %lt3A_255 : i32
        %convert_element_type3A_257 = arith.extui %lt3A_256 : i1 to i32
        %cond3A_258 = arith.constant 0 : i32
        %cond3A_259 = arith.cmpi ne, %convert_element_type3A_257, %cond3A_258 : i32
        scf.if %cond3A_259 {
          %add3A_260 = arith.constant 4 : i32
          %add3A_261 = arith.addi %scan3A_144, %add3A_260 : i32
          %dma_start3A_262 = arith.constant 2 : i32
          %dma_start3A_263 = arith.constant 2 : i32
          %dma_start3A_264 = arith.constant 0 : i32
          %dma_start3A_265 = arith.constant 0 : i32
          %dma_start3A_266 = tpu.memref_slice %arg6[%dma_start3A_262, %dma_start3A_264, %dma_start3A_265] : memref<4x100x64xf32, #tpu.memory_space<vmem>> -> memref<1x100x64xf32, #tpu.memory_space<vmem>>
          %dma_start3A_267 = tpu.memref_squeeze %dma_start3A_266 : memref<1x100x64xf32, #tpu.memory_space<vmem>> -> memref<100x64xf32, #tpu.memory_space<vmem>>
          %dma_start3A_268 = arith.constant 0 : i32
          %dma_start3A_269 = tpu.memref_slice %arg5[%add3A_261, %dma_start3A_268] : memref<64x100xi32, #tpu.memory_space<vmem>> -> memref<1x100xi32, #tpu.memory_space<vmem>>
          %dma_start3A_270 = tpu.memref_squeeze %dma_start3A_269 : memref<1x100xi32, #tpu.memory_space<vmem>> -> memref<100xi32, #tpu.memory_space<vmem>>
          %dma_start3A_271 = arith.constant 0 : i32
          %dma_start3A_272 = arith.constant 0 : i32
          %dma_start3A_273 = tpu.memref_slice %arg3[%dma_start3A_271, %dma_start3A_272] : memref<2000000x64xf32, #tpu.memory_space<hbm>> -> memref<2000000x64xf32, #tpu.memory_space<hbm>>
          %dma_start3A_274 = tpu.memref_slice %arg7[%dma_start3A_263] : memref<4x!tpu.dma_semaphore, #tpu.memory_space<semaphore_mem>> -> memref<1x!tpu.dma_semaphore, #tpu.memory_space<semaphore_mem>>
          %dma_start3A_275 = tpu.memref_squeeze %dma_start3A_274 : memref<1x!tpu.dma_semaphore, #tpu.memory_space<semaphore_mem>> -> memref<!tpu.dma_semaphore, #tpu.memory_space<semaphore_mem>>
          tpu.enqueue_indirect_dma source(%dma_start3A_273 : memref<2000000x64xf32, #tpu.memory_space<hbm>>) target(%dma_start3A_267 : memref<100x64xf32, #tpu.memory_space<vmem>>) offsets(%dma_start3A_270 : memref<100xi32, #tpu.memory_space<vmem>>) semaphore(%dma_start3A_275 : memref<!tpu.dma_semaphore, #tpu.memory_space<semaphore_mem>>)
        } else {
        }
      } else {
      }
      %jit3A_208 = arith.constant 4 : i32
      %eq3A_209 = arith.constant 0 : i32
      %eq3A_210 = arith.cmpi eq, %jit3A_208, %eq3A_209 : i32
      %jit3A_211 = arith.constant 1 : i32
      %select_n3A_212 = arith.select %eq3A_210, %jit3A_211, %jit3A_208 : i32
      %rem3A_213 = arith.remsi %scan3A_144, %select_n3A_212 : i32
      %ne3A_214 = arith.constant 0 : i32
      %ne3A_215 = arith.cmpi ne, %rem3A_213, %ne3A_214 : i32
      %lt3A_216 = arith.constant 0 : i32
      %lt3A_217 = arith.cmpi slt, %rem3A_213, %lt3A_216 : i32
      %lt3A_218 = arith.constant 0 : i32
      %lt3A_219 = arith.cmpi slt, %select_n3A_212, %lt3A_218 : i32
      %ne3A_220 = arith.xori %lt3A_217, %lt3A_219 : i1
      %and3A_221 = arith.andi %ne3A_220, %ne3A_215 : i1
      %add3A_222 = arith.addi %rem3A_213, %select_n3A_212 : i32
      %select_n3A_223 = arith.select %and3A_221, %add3A_222, %rem3A_213 : i32
      %eq3A_224 = arith.constant 3 : i32
      %eq3A_225 = arith.cmpi eq, %select_n3A_223, %eq3A_224 : i32
      %convert_element_type3A_226 = arith.extui %eq3A_225 : i1 to i32
      %cond3A_227 = arith.constant 0 : i32
      %cond3A_228 = arith.cmpi ne, %convert_element_type3A_226, %cond3A_227 : i32
      scf.if %cond3A_228 {
        %dma_wait3A = arith.constant 3 : i32
        %dma_wait3A_229 = arith.constant 3 : i32
        %dma_wait3A_230 = arith.constant 0 : i32
        %dma_wait3A_231 = arith.constant 0 : i32
        %dma_wait3A_232 = tpu.memref_slice %arg6[%dma_wait3A, %dma_wait3A_230, %dma_wait3A_231] : memref<4x100x64xf32, #tpu.memory_space<vmem>> -> memref<1x100x64xf32, #tpu.memory_space<vmem>>
        %dma_wait3A_233 = tpu.memref_squeeze %dma_wait3A_232 : memref<1x100x64xf32, #tpu.memory_space<vmem>> -> memref<100x64xf32, #tpu.memory_space<vmem>>
        %dma_wait3A_234 = arith.constant 0 : i32
        %dma_wait3A_235 = tpu.memref_slice %arg5[%scan3A_144, %dma_wait3A_234] : memref<64x100xi32, #tpu.memory_space<vmem>> -> memref<1x100xi32, #tpu.memory_space<vmem>>
        %dma_wait3A_236 = tpu.memref_squeeze %dma_wait3A_235 : memref<1x100xi32, #tpu.memory_space<vmem>> -> memref<100xi32, #tpu.memory_space<vmem>>
        %dma_wait3A_237 = arith.constant 0 : i32
        %dma_wait3A_238 = arith.constant 0 : i32
        %dma_wait3A_239 = tpu.memref_slice %arg3[%dma_wait3A_237, %dma_wait3A_238] : memref<2000000x64xf32, #tpu.memory_space<hbm>> -> memref<2000000x64xf32, #tpu.memory_space<hbm>>
        %dma_wait3A_240 = tpu.memref_slice %arg7[%dma_wait3A_229] : memref<4x!tpu.dma_semaphore, #tpu.memory_space<semaphore_mem>> -> memref<1x!tpu.dma_semaphore, #tpu.memory_space<semaphore_mem>>
        %dma_wait3A_241 = tpu.memref_squeeze %dma_wait3A_240 : memref<1x!tpu.dma_semaphore, #tpu.memory_space<semaphore_mem>> -> memref<!tpu.dma_semaphore, #tpu.memory_space<semaphore_mem>>
        tpu.wait_indirect_dma semaphore(%dma_wait3A_241 : memref<!tpu.dma_semaphore, #tpu.memory_space<semaphore_mem>>) src(%dma_wait3A_239 : memref<2000000x64xf32, #tpu.memory_space<hbm>>) dst(%dma_wait3A_233 : memref<100x64xf32, #tpu.memory_space<vmem>>)
        %add3A_242 = arith.addi %mul3A_2, %scan3A_144 : i32
        %mul3A_243 = arith.constant 2 : i32
        %mul3A_244 = arith.muli %mul3A_243, %add3A_242 : i32
        %add3A_245 = arith.constant 0 : i32
        %add3A_246 = arith.addi %mul3A_244, %add3A_245 : i32
        %run_scoped3A = arith.constant 3 : i32
        "tpu.region"() ({
          %run_scoped3A_260 = tpu.sem_alloc : memref<!tpu.dma_semaphore, #tpu.memory_space<semaphore_mem>>
          %dma_start3A_261 = arith.constant 0 : i32
          %dma_start3A_262 = arith.constant 0 : i32
          %dma_start3A_263 = tpu.memref_slice %arg6[%run_scoped3A, %dma_start3A_261, %dma_start3A_262] : memref<4x100x64xf32, #tpu.memory_space<vmem>> -> memref<1x50x64xf32, #tpu.memory_space<vmem>>
          %dma_start3A_264 = tpu.memref_squeeze %dma_start3A_263 : memref<1x50x64xf32, #tpu.memory_space<vmem>> -> memref<50x64xf32, #tpu.memory_space<vmem>>
          %dma_start3A_265 = arith.constant 0 : i32
          %dma_start3A_266 = arith.constant 0 : i32
          %dma_start3A_267 = tpu.memref_slice %arg4[%add3A_246, %dma_start3A_265, %dma_start3A_266] : memref<4096x56x128xf32, #tpu.memory_space<hbm>> -> memref<1x50x64xf32, #tpu.memory_space<hbm>>
          %dma_start3A_268 = tpu.memref_squeeze %dma_start3A_267 : memref<1x50x64xf32, #tpu.memory_space<hbm>> -> memref<50x64xf32, #tpu.memory_space<hbm>>
          %dma_start3A_269 = arith.constant 0 : i32
          %dma_start3A_270 = arith.constant 0 : i32
          %dma_start3A_271 = tpu.memref_slice %arg4[%add3A_246, %dma_start3A_269, %dma_start3A_270] : memref<4096x56x128xf32, #tpu.memory_space<hbm>> -> memref<1x50x64xf32, #tpu.memory_space<hbm>>
          %dma_start3A_272 = tpu.memref_squeeze %dma_start3A_271 : memref<1x50x64xf32, #tpu.memory_space<hbm>> -> memref<50x64xf32, #tpu.memory_space<hbm>>
          %dma_start3A_273 = arith.constant 0 : i32
          %dma_start3A_274 = arith.constant 0 : i32
          %dma_start3A_275 = tpu.memref_slice %arg6[%run_scoped3A, %dma_start3A_273, %dma_start3A_274] : memref<4x100x64xf32, #tpu.memory_space<vmem>> -> memref<1x50x64xf32, #tpu.memory_space<vmem>>
          %dma_start3A_276 = tpu.memref_squeeze %dma_start3A_275 : memref<1x50x64xf32, #tpu.memory_space<vmem>> -> memref<50x64xf32, #tpu.memory_space<vmem>>
          tpu.enqueue_dma source(%dma_start3A_276 : memref<50x64xf32, #tpu.memory_space<vmem>>) target(%dma_start3A_272 : memref<50x64xf32, #tpu.memory_space<hbm>>) target_semaphore(%run_scoped3A_260 : memref<!tpu.dma_semaphore, #tpu.memory_space<semaphore_mem>>)
          %dma_wait3A_277 = arith.constant 0 : i32
          %dma_wait3A_278 = arith.constant 0 : i32
          %dma_wait3A_279 = tpu.memref_slice %arg6[%run_scoped3A, %dma_wait3A_277, %dma_wait3A_278] : memref<4x100x64xf32, #tpu.memory_space<vmem>> -> memref<1x50x64xf32, #tpu.memory_space<vmem>>
          %dma_wait3A_280 = tpu.memref_squeeze %dma_wait3A_279 : memref<1x50x64xf32, #tpu.memory_space<vmem>> -> memref<50x64xf32, #tpu.memory_space<vmem>>
          %dma_wait3A_281 = arith.constant 0 : i32
          %dma_wait3A_282 = arith.constant 0 : i32
          %dma_wait3A_283 = tpu.memref_slice %arg4[%add3A_246, %dma_wait3A_281, %dma_wait3A_282] : memref<4096x56x128xf32, #tpu.memory_space<hbm>> -> memref<1x50x64xf32, #tpu.memory_space<hbm>>
          %dma_wait3A_284 = tpu.memref_squeeze %dma_wait3A_283 : memref<1x50x64xf32, #tpu.memory_space<hbm>> -> memref<50x64xf32, #tpu.memory_space<hbm>>
          %dma_wait3A_285 = arith.constant 0 : i32
          %dma_wait3A_286 = arith.constant 0 : i32
          %dma_wait3A_287 = tpu.memref_slice %arg4[%add3A_246, %dma_wait3A_285, %dma_wait3A_286] : memref<4096x56x128xf32, #tpu.memory_space<hbm>> -> memref<1x50x64xf32, #tpu.memory_space<hbm>>
          %dma_wait3A_288 = tpu.memref_squeeze %dma_wait3A_287 : memref<1x50x64xf32, #tpu.memory_space<hbm>> -> memref<50x64xf32, #tpu.memory_space<hbm>>
          %dma_wait3A_289 = arith.constant 0 : i32
          %dma_wait3A_290 = arith.constant 0 : i32
          %dma_wait3A_291 = tpu.memref_slice %arg6[%run_scoped3A, %dma_wait3A_289, %dma_wait3A_290] : memref<4x100x64xf32, #tpu.memory_space<vmem>> -> memref<1x50x64xf32, #tpu.memory_space<vmem>>
          %dma_wait3A_292 = tpu.memref_squeeze %dma_wait3A_291 : memref<1x50x64xf32, #tpu.memory_space<vmem>> -> memref<50x64xf32, #tpu.memory_space<vmem>>
          tpu.wait_dma2 semaphore(%run_scoped3A_260 : memref<!tpu.dma_semaphore, #tpu.memory_space<semaphore_mem>>) src(%dma_wait3A_292 : memref<50x64xf32, #tpu.memory_space<vmem>>) dst(%dma_wait3A_288 : memref<50x64xf32, #tpu.memory_space<hbm>>)
          tpu.yield
        }) : () -> ()
        %add3A_247 = arith.addi %mul3A_2, %scan3A_144 : i32
        %mul3A_248 = arith.constant 2 : i32
        %mul3A_249 = arith.muli %mul3A_248, %add3A_247 : i32
        %add3A_250 = arith.constant 1 : i32
        %add3A_251 = arith.addi %mul3A_249, %add3A_250 : i32
        %run_scoped3A_252 = arith.constant 3 : i32
        "tpu.region"() ({
          %run_scoped3A_260 = tpu.sem_alloc : memref<!tpu.dma_semaphore, #tpu.memory_space<semaphore_mem>>
          %dma_start3A_261 = arith.constant 50 : i32
          %dma_start3A_262 = arith.constant 0 : i32
          %dma_start3A_263 = tpu.memref_slice %arg6[%run_scoped3A_252, %dma_start3A_261, %dma_start3A_262] : memref<4x100x64xf32, #tpu.memory_space<vmem>> -> memref<1x50x64xf32, #tpu.memory_space<vmem>>
          %dma_start3A_264 = tpu.memref_squeeze %dma_start3A_263 : memref<1x50x64xf32, #tpu.memory_space<vmem>> -> memref<50x64xf32, #tpu.memory_space<vmem>>
          %dma_start3A_265 = arith.constant 0 : i32
          %dma_start3A_266 = arith.constant 0 : i32
          %dma_start3A_267 = tpu.memref_slice %arg4[%add3A_251, %dma_start3A_265, %dma_start3A_266] : memref<4096x56x128xf32, #tpu.memory_space<hbm>> -> memref<1x50x64xf32, #tpu.memory_space<hbm>>
          %dma_start3A_268 = tpu.memref_squeeze %dma_start3A_267 : memref<1x50x64xf32, #tpu.memory_space<hbm>> -> memref<50x64xf32, #tpu.memory_space<hbm>>
          %dma_start3A_269 = arith.constant 0 : i32
          %dma_start3A_270 = arith.constant 0 : i32
          %dma_start3A_271 = tpu.memref_slice %arg4[%add3A_251, %dma_start3A_269, %dma_start3A_270] : memref<4096x56x128xf32, #tpu.memory_space<hbm>> -> memref<1x50x64xf32, #tpu.memory_space<hbm>>
          %dma_start3A_272 = tpu.memref_squeeze %dma_start3A_271 : memref<1x50x64xf32, #tpu.memory_space<hbm>> -> memref<50x64xf32, #tpu.memory_space<hbm>>
          %dma_start3A_273 = arith.constant 50 : i32
          %dma_start3A_274 = arith.constant 0 : i32
          %dma_start3A_275 = tpu.memref_slice %arg6[%run_scoped3A_252, %dma_start3A_273, %dma_start3A_274] : memref<4x100x64xf32, #tpu.memory_space<vmem>> -> memref<1x50x64xf32, #tpu.memory_space<vmem>>
          %dma_start3A_276 = tpu.memref_squeeze %dma_start3A_275 : memref<1x50x64xf32, #tpu.memory_space<vmem>> -> memref<50x64xf32, #tpu.memory_space<vmem>>
          tpu.enqueue_dma source(%dma_start3A_276 : memref<50x64xf32, #tpu.memory_space<vmem>>) target(%dma_start3A_272 : memref<50x64xf32, #tpu.memory_space<hbm>>) target_semaphore(%run_scoped3A_260 : memref<!tpu.dma_semaphore, #tpu.memory_space<semaphore_mem>>)
          %dma_wait3A_277 = arith.constant 50 : i32
          %dma_wait3A_278 = arith.constant 0 : i32
          %dma_wait3A_279 = tpu.memref_slice %arg6[%run_scoped3A_252, %dma_wait3A_277, %dma_wait3A_278] : memref<4x100x64xf32, #tpu.memory_space<vmem>> -> memref<1x50x64xf32, #tpu.memory_space<vmem>>
          %dma_wait3A_280 = tpu.memref_squeeze %dma_wait3A_279 : memref<1x50x64xf32, #tpu.memory_space<vmem>> -> memref<50x64xf32, #tpu.memory_space<vmem>>
          %dma_wait3A_281 = arith.constant 0 : i32
          %dma_wait3A_282 = arith.constant 0 : i32
          %dma_wait3A_283 = tpu.memref_slice %arg4[%add3A_251, %dma_wait3A_281, %dma_wait3A_282] : memref<4096x56x128xf32, #tpu.memory_space<hbm>> -> memref<1x50x64xf32, #tpu.memory_space<hbm>>
          %dma_wait3A_284 = tpu.memref_squeeze %dma_wait3A_283 : memref<1x50x64xf32, #tpu.memory_space<hbm>> -> memref<50x64xf32, #tpu.memory_space<hbm>>
          %dma_wait3A_285 = arith.constant 0 : i32
          %dma_wait3A_286 = arith.constant 0 : i32
          %dma_wait3A_287 = tpu.memref_slice %arg4[%add3A_251, %dma_wait3A_285, %dma_wait3A_286] : memref<4096x56x128xf32, #tpu.memory_space<hbm>> -> memref<1x50x64xf32, #tpu.memory_space<hbm>>
          %dma_wait3A_288 = tpu.memref_squeeze %dma_wait3A_287 : memref<1x50x64xf32, #tpu.memory_space<hbm>> -> memref<50x64xf32, #tpu.memory_space<hbm>>
          %dma_wait3A_289 = arith.constant 50 : i32
          %dma_wait3A_290 = arith.constant 0 : i32
          %dma_wait3A_291 = tpu.memref_slice %arg6[%run_scoped3A_252, %dma_wait3A_289, %dma_wait3A_290] : memref<4x100x64xf32, #tpu.memory_space<vmem>> -> memref<1x50x64xf32, #tpu.memory_space<vmem>>
          %dma_wait3A_292 = tpu.memref_squeeze %dma_wait3A_291 : memref<1x50x64xf32, #tpu.memory_space<vmem>> -> memref<50x64xf32, #tpu.memory_space<vmem>>
          tpu.wait_dma2 semaphore(%run_scoped3A_260 : memref<!tpu.dma_semaphore, #tpu.memory_space<semaphore_mem>>) src(%dma_wait3A_292 : memref<50x64xf32, #tpu.memory_space<vmem>>) dst(%dma_wait3A_288 : memref<50x64xf32, #tpu.memory_space<hbm>>)
          tpu.yield
        }) : () -> ()
        %add3A_253 = arith.constant 4 : i32
        %add3A_254 = arith.addi %scan3A_144, %add3A_253 : i32
        %lt3A_255 = arith.constant 64 : i32
        %lt3A_256 = arith.cmpi slt, %add3A_254, %lt3A_255 : i32
        %convert_element_type3A_257 = arith.extui %lt3A_256 : i1 to i32
        %cond3A_258 = arith.constant 0 : i32
        %cond3A_259 = arith.cmpi ne, %convert_element_type3A_257, %cond3A_258 : i32
        scf.if %cond3A_259 {
          %add3A_260 = arith.constant 4 : i32
          %add3A_261 = arith.addi %scan3A_144, %add3A_260 : i32
          %dma_start3A_262 = arith.constant 3 : i32
          %dma_start3A_263 = arith.constant 3 : i32
          %dma_start3A_264 = arith.constant 0 : i32
          %dma_start3A_265 = arith.constant 0 : i32
          %dma_start3A_266 = tpu.memref_slice %arg6[%dma_start3A_262, %dma_start3A_264, %dma_start3A_265] : memref<4x100x64xf32, #tpu.memory_space<vmem>> -> memref<1x100x64xf32, #tpu.memory_space<vmem>>
          %dma_start3A_267 = tpu.memref_squeeze %dma_start3A_266 : memref<1x100x64xf32, #tpu.memory_space<vmem>> -> memref<100x64xf32, #tpu.memory_space<vmem>>
          %dma_start3A_268 = arith.constant 0 : i32
          %dma_start3A_269 = tpu.memref_slice %arg5[%add3A_261, %dma_start3A_268] : memref<64x100xi32, #tpu.memory_space<vmem>> -> memref<1x100xi32, #tpu.memory_space<vmem>>
          %dma_start3A_270 = tpu.memref_squeeze %dma_start3A_269 : memref<1x100xi32, #tpu.memory_space<vmem>> -> memref<100xi32, #tpu.memory_space<vmem>>
          %dma_start3A_271 = arith.constant 0 : i32
          %dma_start3A_272 = arith.constant 0 : i32
          %dma_start3A_273 = tpu.memref_slice %arg3[%dma_start3A_271, %dma_start3A_272] : memref<2000000x64xf32, #tpu.memory_space<hbm>> -> memref<2000000x64xf32, #tpu.memory_space<hbm>>
          %dma_start3A_274 = tpu.memref_slice %arg7[%dma_start3A_263] : memref<4x!tpu.dma_semaphore, #tpu.memory_space<semaphore_mem>> -> memref<1x!tpu.dma_semaphore, #tpu.memory_space<semaphore_mem>>
          %dma_start3A_275 = tpu.memref_squeeze %dma_start3A_274 : memref<1x!tpu.dma_semaphore, #tpu.memory_space<semaphore_mem>> -> memref<!tpu.dma_semaphore, #tpu.memory_space<semaphore_mem>>
          tpu.enqueue_indirect_dma source(%dma_start3A_273 : memref<2000000x64xf32, #tpu.memory_space<hbm>>) target(%dma_start3A_267 : memref<100x64xf32, #tpu.memory_space<vmem>>) offsets(%dma_start3A_270 : memref<100xi32, #tpu.memory_space<vmem>>) semaphore(%dma_start3A_275 : memref<!tpu.dma_semaphore, #tpu.memory_space<semaphore_mem>>)
        } else {
        }
      } else {
      }
    }
    %scan3A_66 = arith.constant 64 : i32
    return
  }
}

module attributes {stable_mosaic.version = 14 : i64} {
  func.func @_mask_body(%arg0: memref<4096x50xi32, #tpu.memory_space<vmem>>, %arg1: memref<4096x50xf32, #tpu.memory_space<vmem>>, %arg2: memref<4096x50xi32, #tpu.memory_space<vmem>>) attributes {dimension_semantics = [], scalar_prefetch = 0 : i64, scratch_operands = 0 : i64, tpu.core_type = #tpu.core_type<tc>} {
    %get3A = arith.constant 0 : index
    %get3A_0 = arith.constant 0 : index
    %get3A_1 = vector.load %arg0[%get3A, %get3A_0] : memref<4096x50xi32, #tpu.memory_space<vmem>>, vector<4096x50xi32>
    %gt3A = arith.constant 0 : i32
    %gt3A_2 = vector.broadcast %gt3A : i32 to vector<4096x50xi32>
    %gt3A_3 = arith.cmpi sgt, %get3A_1, %gt3A_2 : vector<4096x50xi32>
    %jit3A = arith.constant 1.000000e+00 : f32
    %jit3A_4 = arith.constant 0.000000e+00 : f32
    %broadcast_in_dim3A = vector.broadcast %jit3A : f32 to vector<4096x50xf32>
    %broadcast_in_dim3A_5 = vector.broadcast %jit3A_4 : f32 to vector<4096x50xf32>
    %select_n3A = arith.select %gt3A_3, %broadcast_in_dim3A, %broadcast_in_dim3A_5 : vector<4096x50xi1>, vector<4096x50xf32>
    %swap3A = arith.constant 0 : index
    %swap3A_6 = arith.constant 0 : index
    %swap3A_7 = vector.load %arg1[%swap3A, %swap3A_6] : memref<4096x50xf32, #tpu.memory_space<vmem>>, vector<4096x50xf32>
    tpu.vector_store %arg1[%swap3A, %swap3A_6], %select_n3A {strides = array<i32>} : memref<4096x50xf32, #tpu.memory_space<vmem>>, vector<4096x50xf32>,
    %mul3A = arith.constant 2 : i32
    %mul3A_8 = vector.broadcast %mul3A : i32 to vector<4096x50xi32>
    %mul3A_9 = arith.muli %get3A_1, %mul3A_8 : vector<4096x50xi32>
    %swap3A_10 = arith.constant 0 : index
    %swap3A_11 = arith.constant 0 : index
    %swap3A_12 = vector.load %arg2[%swap3A_10, %swap3A_11] : memref<4096x50xi32, #tpu.memory_space<vmem>>, vector<4096x50xi32>
    tpu.vector_store %arg2[%swap3A_10, %swap3A_11], %mul3A_9 {strides = array<i32>} : memref<4096x50xi32, #tpu.memory_space<vmem>>, vector<4096x50xi32>,
    return
  }
}

module attributes {stable_mosaic.version = 14 : i64} {
  func.func @_padxpose_body(%arg0: i32, %arg1: memref<64x16384xf32, #tpu.memory_space<vmem>>, %arg2: memref<16384x128xf32, #tpu.memory_space<vmem>>) attributes {dimension_semantics = [#tpu.dimension_semantics<arbitrary>], iteration_bounds = array<i64: 62>, scalar_prefetch = 0 : i64, scratch_operands = 0 : i64, tpu.core_type = #tpu.core_type<tc>, window_params = [{transform_indices = @transform_0, window_bounds = array<i64: 64, 16384>}, {transform_indices = @transform_1, window_bounds = array<i64: 16384, 128>}]} {
    %get3A = arith.constant 0 : index
    %get3A_0 = arith.constant 0 : index
    %get3A_1 = vector.load %arg1[%get3A, %get3A_0] : memref<64x16384xf32, #tpu.memory_space<vmem>>, vector<64x16384xf32>
    %transpose3A = tpu.transpose %get3A_1, [1, 0] : vector<64x16384xf32> -> vector<16384x64xf32>
    %swap3A = arith.constant 0 : index
    %swap3A_2 = arith.constant 0 : index
    %swap3A_3 = vector.load %arg2[%swap3A, %swap3A_2] : memref<16384x128xf32, #tpu.memory_space<vmem>>, vector<16384x64xf32>
    tpu.vector_store %arg2[%swap3A, %swap3A_2], %transpose3A {strides = array<i32>} : memref<16384x128xf32, #tpu.memory_space<vmem>>, vector<16384x64xf32>,
    return
  }
  func.func @transform_0(%arg0: i32) -> (i32, i32) {
    %c0_i32 = arith.constant 0 : i32
    %c0_i32_0 = arith.constant 0 : i32
    return %c0_i32, %arg0 : i32, i32
  }
  func.func @transform_1(%arg0: i32) -> (i32, i32) {
    %c0_i32 = arith.constant 0 : i32
    %c0_i32_0 = arith.constant 0 : i32
    return %arg0, %c0_i32 : i32, i32
  }
}

</mosaic_0001>

<sc_bundles>
// kernel: kernel.5.cloned.1.call-start
scs
__scs_entry_jumppad:
0x0: {  	(pc) =	sbr.rel $0x88, $3  }
0x1: {  	(tag) =	ssettag $0x0;
	lr =	simm.s32 $0x1  }
0x2: {  	[smem:$0x3F9F] =	sst lr;
	_ =	strace $0xD0000000  }
0x3: {  	_ = 	snop  }
0x4: {  	_ = 	snop  }
0x5: {  	_ = 	snop  }
0x6: {  	_ = 	snop  }
0x7: {  	_ = 	snop  }
__scs_overlays_trampoline_lowered:
0x8: {  	[smem:$0x3FAE] =	sst s0  }
0x9: {  	[smem:$0x3FAF] =	sst s1  }
0xa: {  	[smem:$0x3FB0] =	sst s2  }
0xb: {  	[smem:$0x3FB1] =	sst s3  }
0xc: {  	[smem:$0x3FB2] =	sst s4  }
0xd: {  	[smem:$0x3FB3] =	sst s5  }
0xe: {  	[smem:$0x3FB4] =	sst s6  }
0xf: {  	[smem:$0x3FB5] =	sst s7  }
0x10: {  	[smem:$0x3FB6] =	sst s8  }
0x11: {  	[smem:$0x3FB7] =	sst s9;
	s0 =	simm.s32 @!p0 $0x0  }
0x12: {  	s1 =	sld [smem:$0x3F9D];
	s0 =	simm.s32 @p0 $0x1  }
0x13: {  	[smem:$0x3FB8] =	sst s0;
	s0 =	simm.s32 @!p1 $0x0  }
0x14: {  	s2 =	sld [smem:$0x3F9C];
	s0 =	simm.s32 @p1 $0x1  }
0x15: {  	[smem:$0x3FB9] =	sst s0;
	s0 =	simm.s32 @!p2 $0x0  }
0x16: {  	s3 =	sld [smem:$0x3FDB];
	s0 =	simm.s32 @p2 $0x1  }
0x17: {  	s4 =	simm.s32 $0x1BF5;
	[smem:$0x3FBB] =	sst s0  }
0x18: {  	s0 =	sld [smem:$0x3F9E];
	_ =	swait.ge [sflag:s4], $0x0  }
0x19: {  	s7 =	sld [smem:$0x3F9F]  }
0x1a: {  	s8 =	sadd.s32 $0xFFFFE003, lr  }
0x1b: {  	s9 =	sadd.s32 $0xFFFFFEF7, lr;
	s5 =	simm.s32 $0xFFFFFFFF;
	p2 =	slt.u32 s8, $0xFFFFF086  }
0x1c: {  	p1 =	slt.u32 s9, $0xF7A;
	s5 =	simm.s32 @!p2 $0x0  }
0x1d: {  	s5 =	simm.s32 @p1 $0x1;
	p0 =	seq.s32 s7, s2  }
0x1e: {  	s7 =	smul.u32 @!p0 $0xF7A, s2;
	p2 =	seq.s32 @!p0 s5, $0x0  }
0x1f: {  	s9 =	smul.u32 $0xF7A, s1;
	s8 =	simm.s32 @!p0 $0x1BF5;
	p2 =	por !p2, p0  }
0x20: {  	[sflag:s8] =	ssyncset.s32 @!p0 $0xFFFFF086;
	s6 =	sadd.s32 @!p0 s3, s7;
	s7 =	simm.s32 @!p0 $0x108  }
0x21: {  	s3 =	sadd.s32 s3, s9;
	s6 =	sadd.s32 @!p0 $0x88, s6;
	s7 =	simm.s32 @p2 $0x1082  }
0x22: {  	[simem:s7], [sflag:s8] =	dma.local @!p0 [hbm:s6], $0xF7A  }
0x23: {  	s9 =	sor.u32 $0xD0000000, s2;
	s6 =	simm.s32 $0x108;
	_ =	swait.ge @!p0 [sflag:s8], $0x0  }
0x24: {  	s3 =	sadd.s32 $0x88, s3;
	s6 =	simm.s32 @!p1 $0x1082;
	[sflag:s4] =	ssyncset.s32 $0xFFFFF086  }
0x25: {  	[simem:s6], [sflag:s4] =	dma.local [hbm:s3], $0xF7A  }
0x26: {  	[smem:$0x3F9F] =	sst s1;
	(tag) =	ssettag s2;
	_ =	strace s9  }
0x27: {  	s1 =	sld [smem:$0x3FAF]  }
0x28: {  	s2 =	sld [smem:$0x3FB0]  }
0x29: {  	s4 =	sld [smem:$0x3FB2]  }
0x2a: {  	p0 =	seq.s32 s5, $0x0;
	s5 =	sld [smem:$0x3FB3]  }
0x2b: {  	s6 =	sld [smem:$0x3FB4]  }
0x2c: {  	s7 =	sld [smem:$0x3FB5]  }
0x2d: {  	s3 =	simm.s32 $0x108;
	s8 =	sld [smem:$0x3FB6]  }
0x2e: {  	s3 =	simm.s32 @!p0 $0x1082;
	s9 =	sld [smem:$0x3FB7]  }
0x2f: {  	lr =	sadd.s32 s0, s3;
	s0 =	sld [smem:$0x3FAE]  }
0x30: {  	s3 =	sld [smem:$0x3FB1]  }
0x31: {  	[smem:$0x3FBA] =	sst s10  }
0x32: {  	s10 =	sld [smem:$0x3FB8];
	_ =	sdelay $0x3  }
0x33: {  	p0 =	seq.s32 s10, $0x1;
	s10 =	sld [smem:$0x3FBA];
	_ =	sdelay $0x3  }
0x34: {  	[smem:$0x3FBA] =	sst s10  }
0x35: {  	s10 =	sld [smem:$0x3FB9];
	_ =	sdelay $0x3  }
0x36: {  	p1 =	seq.s32 s10, $0x1;
	s10 =	sld [smem:$0x3FBA];
	_ =	sdelay $0x3  }
0x37: {  	[smem:$0x3FBA] =	sst s10  }
0x38: {  	s10 =	sld [smem:$0x3FBB]  }
0x39: {  	_ = 	snop;
	(pc) =	sbr.ind lr, $3  }
0x3a: {  	_ = 	snop  }
0x3b: {  	_ = 	snop  }
0x3c: {  	p2 =	seq.s32 s10, $0x1;
	s10 =	sld [smem:$0x3FBA]  }
0x3d: {  	_ =	shalt  }
0x3e: {  	_ =	shalt  }
0x3f: {  	_ =	shalt  }
0x40: {  	_ =	shalt  }
0x41: {  	_ =	shalt  }
0x42: {  	_ =	shalt  }
0x43: {  	_ =	shalt  }
0x44: {  	_ =	shalt  }
0x45: {  	_ =	shalt  }
0x46: {  	_ =	shalt  }
0x47: {  	_ =	shalt  }
0x48: {  	_ =	shalt  }
0x49: {  	_ =	shalt  }
0x4a: {  	_ =	shalt  }
0x4b: {  	_ =	shalt  }
0x4c: {  	_ =	shalt  }
0x4d: {  	_ =	shalt  }
0x4e: {  	_ =	shalt  }
0x4f: {  	_ =	shalt  }
0x50: {  	_ =	shalt  }
0x51: {  	_ =	shalt  }
0x52: {  	_ =	shalt  }
0x53: {  	_ =	shalt  }
0x54: {  	_ =	shalt  }
0x55: {  	_ =	shalt  }
0x56: {  	_ =	shalt  }
0x57: {  	_ =	shalt  }
0x58: {  	_ =	shalt  }
0x59: {  	_ =	shalt  }
0x5a: {  	_ =	shalt  }
0x5b: {  	_ =	shalt  }
0x5c: {  	_ =	shalt  }
0x5d: {  	_ =	shalt  }
0x5e: {  	_ =	shalt  }
0x5f: {  	_ =	shalt  }
0x60: {  	_ =	shalt  }
0x61: {  	_ =	shalt  }
0x62: {  	_ =	shalt  }
0x63: {  	_ =	shalt  }
0x64: {  	_ =	shalt  }
0x65: {  	_ =	shalt  }
0x66: {  	_ =	shalt  }
0x67: {  	_ =	shalt  }
0x68: {  	_ =	shalt  }
0x69: {  	_ =	shalt  }
0x6a: {  	_ =	shalt  }
0x6b: {  	_ =	shalt  }
0x6c: {  	_ =	shalt  }
0x6d: {  	_ =	shalt  }
0x6e: {  	_ =	shalt  }
0x6f: {  	_ =	shalt  }
0x70: {  	_ =	shalt  }
0x71: {  	_ =	shalt  }
0x72: {  	_ =	shalt  }
0x73: {  	_ =	shalt  }
0x74: {  	_ =	shalt  }
0x75: {  	_ =	shalt  }
0x76: {  	_ =	shalt  }
0x77: {  	_ =	shalt  }
0x78: {  	_ =	shalt  }
0x79: {  	_ =	shalt  }
0x7a: {  	_ =	shalt  }
0x7b: {  	_ =	shalt  }
0x7c: {  	_ =	shalt  }
0x7d: {  	_ =	shalt  }
0x7e: {  	_ =	shalt  }
0x7f: {  	_ =	shalt  }
0x80: {  	_ =	shalt  }
0x81: {  	_ =	shalt  }
0x82: {  	_ =	shalt  }
0x83: {  	_ =	shalt  }
0x84: {  	_ =	shalt  }
0x85: {  	_ =	shalt  }
0x86: {  	_ =	shalt  }
0x87: {  	_ =	shalt  }
.Lfunc_end0:
.L_simem_size_0:
called_computation.1_lowered:
.L_overlay_start_0:
0x88: {  	s2 =	sld [smem:$0x3FD9]  }
0x89: {  	s3 =	sld [smem:$0x3FFE];
	_ =	sdelay $0x1  }
0x8a: {  	s1 =	srdreg.scid  }
0x8b: {  	s0 =	sand.u32 $0x1, s1  }
0x8c: {  	s14 =	sshll.u32 s0, $0xA;
	s2 =	sadd.s32 s3, s2  }
0x8d: {  	s2 =	sadd.s32 s2, s14  }
0x8e: {  	[smem:$0x3FC6] =	sst s2  }
0x8f: {  	_ = 	snop  }
0x90: {  	s2 =	sld [smem:$0x3FD0];
	_ =	sdelay $0x2  }
0x91: {  	s15 =	simm.s32 $0xA;
	s4 =	simm.s32 $0x10  }
0x92: {  	[smem:s4], [sflag:s15] =	dma.local [hbm:s2], $0x1  }
0x93: {  	_ =	swait.eq [sflag:s15], $0x1  }
0x94: {  	[sflag:s15] =	ssyncset.done $0x0  }
0x95: {  	[sflag:s15] =	ssyncadd.s32 $0xFFFFFFFF  }
0x96: {  	s16 =	sld [smem:$0x11];
	(tm) =	ssettm $0x1  }
0x97: {  	s17 =	sld [smem:$0x3FFB];
	_ =	sdelay $0x3  }
0x98: {  	_ =	strace s17  }
0x99: {  	s3 =	sld [smem:$0x3FFC];
	_ =	sdelay $0x3  }
0x9a: {  	_ =	strace s3  }
0x9b: {  	s3 =	sld [smem:$0x3FFD];
	_ =	sdelay $0x3  }
0x9c: {  	_ =	strace s3  }
0x9d: {  	_ =	strace $0x8FFFFFFF  }
0x9e: {  	s18 =	sld [smem:$0x3FDB];
	_ =	sdelay $0x1  }
0x9f: {  	s19 =	simm.s32 $_scs_section_size  }
0xa0: {  	s5 =	simm.s32 $_size__tile_overlayer_lowered;
	s6 =	simm.s32 $_tile_overlayer_lowered  }
0xa1: {  	s22 =	simm.s32 $0x1BFF;
	s21 =	sshll.u32 s6, $0x1;
	s3 =	sadd.s32 s19, s18  }
0xa2: {  	s7 =	simm.s32 $0x0;
	s20 =	sshll.u32 s5, $0x1;
	s5 =	sadd.s32 s21, s3  }
0xa3: {  	[timem:s7], [sflag:s22] =	dma.local [hbm:s5], s20  }
0xa4: {  	_ =	swait.ge [sflag:s22], s20  }
0xa5: {  	s4 =	ssub.s32 $0x0, s20;
	[sflag:s22] =	ssyncset.done $0x0  }
0xa6: {  	[sflag:s22] =	ssyncadd.s32 s4;
	_ =	sdelay $0x1  }
0xa7: {  	s23 =	simm.s32 $0x1B8B  }
0xa8: {  	_ =	swait.ge [sflag:s23], $0x1  }
0xa9: {  	[sflag:s23] =	ssyncset.done $0x0  }
0xaa: {  	s25 =	simm.s32 $0x1B8E;
	s24 =	sld [smem:$0x3FFE];
	[sflag:s23] =	ssyncadd.s32 $0xFFFFFFFF  }
0xab: {  	s26 =	simm.s32 $execute0_lowered;
	[smem:$0x3FD2] =	sst s25  }
0xac: {  	s5 =	sshll.u32 s26, $0x1;
	_ =	strace $0x80000046;
	[dreg:$0x1] =	wrdreg $0xFFFFFFFF  }
0xad: {  	s28 =	simm.s32 $_size_execute0_lowered;
	s3 =	sadd.s32 s3, s5;
	[dreg:$0x0] =	wrdreg $0x0  }
0xae: {  	s5 =	sshll.u32 s28, $0x1;
	[dreg:$0x2] =	wrdreg s3  }
0xaf: {  	[dreg:$0x3] =	wrdreg s5  }
0xb0: {  	[dreg:$0x4] =	wrdreg $0xC0  }
0xb1: {  	_ =	task [dreg:s7], $0x5FFFF  }
0xb2: {  	[dreg:$0x1] =	wrdreg $0xFFFFFFFF  }
0xb3: {  	[dreg:$0x0] =	wrdreg $0x60  }
0xb4: {  	[dreg:$0x2] =	wrdreg s16  }
0xb5: {  	[dreg:$0x3] =	wrdreg s24  }
0xb6: {  	[dreg:$0x4] =	wrdreg $0x9  }
0xb7: {  	_ =	task.clear_ibuf [dreg:s7], $0x5FFFF;
	_ =	strace $0x90000046  }
0xb8: {  	s29 =	simm.s32 $0x9;
	_ =	strace $0x80000048  }
0xb9: {  	_ =	swait.ge [sflag:s29], $0x1  }
0xba: {  	[sflag:s29] =	ssyncadd.s32 $0xFFFFFFFF  }
0xbb: {  	_ =	strace $0x90000048  }
0xbc: {  	_ =	sfence  }
0xbd: {  	s30 =	sld [smem:$0x0];
	_ =	sdelay $0x2  }
0xbe: {  	s31 =	sshll.u32 s1, $0xD;
	s1 =	sshrl.u32 s1, $0x2  }
0xbf: {  	s3 =	sand.u32 $0x4000, s31;
	s1 =	sadd.s32 s1, s30  }
0xc0: {  	s0 =	sor.u32 s3, s0;
	s1 =	sshll.u32 s1, $0x11  }
0xc1: {  	s0 =	sor.u32 s1, s0  }
0xc2: {  	s0 =	sadd.s32 $0x8F2B, s0  }
0xc3: {  	[sflag:s0] =	ssyncadd.remote.s32 $0x1  }
0xc4: {  	_ =	sfence.sel $0xFFFF  }
0xc5: {  	[dreg:$0x0] =	wrdreg $0xFFFFFFFF;
	(pc) =	sbr.abs _section_cstart, $3  }
0xc6: {  	[dreg:$0x1] =	wrdreg $0xFFFFFFFF  }
0xc7: {  	_ =	task.clear_ibuf [dreg:s7], $0x2FFFF;
	_ =	strace $0x9FFFFFFF  }
0xc8: {  	(tm) =	ssettm $0x7FFFFFFF  }
0xc9: {  	_ =	shalt  }
tec
execute0_lowered:
.L_overlay_start_1:
0x0: {  	(tag) =	ssettag $0x1  }
0x1: {  	s5 =	rddreg [dreg:$0x0]  }
0x2: {  	s4 =	rddreg [dreg:$0x1]  }
0x3: {  	s0 =	rddreg [dreg:$0x2]  }
0x4: {  	s2 =	simm.s32 $0x0;
	s3 =	srdreg.scid;
	s1 =	stileid.u32  }
0x5: {  	s12 =	simm.s32 $0x3300;
	s13 =	simm.s32 $0xD0;
	s14 =	simm.s32 $0x4C00  }
0x6: {  	s15 =	simm.s32 $0x138;
	s16 =	simm.s32 $0x6500;
	s17 =	simm.s32 $0x0  }
0x7: {  	[smem:$0x7FF] =	sst s2;
	s6 =	sand.u32 $0x1, s3;
	s8 =	smul.u32 $0x1C0000, s1  }
0x8: {  	s29 =	sshll.u32 s1, $0x7;
	s3 =	sadd.s32 $0x10E00, s4;
	s30 =	smul.u32 $0x38000, s1  }
0x9: {  	s4 =	sadd.s32 $0xF53200, s4;
	s7 =	sshll.u32 s6, $0x6;
	s10 =	smul.u32 $0xE0000, s6  }
0xa: {  	s9 =	ssub.s32 $0x2, s6;
	s31 =	smul.u32 $0x1C000, s6;
	s7 =	sor.u32 s7, s29  }
0xb: {  	_ =	strace $0x80000047;
	s11 =	sshrl.u32 s9, $0x1;
	s7 =	smul.u32 $0xD, s7  }
0xc: {  	s9 =	ssub.s32 s9, s11;
	s8 =	sadd.s32 s10, s8;
	s11 =	simm.s32 $0x68  }
0xd: {  	s10 =	sor.u32 $0x5400, s8;
	s8 =	sor.u32 $0x1C00, s8;
	s6 =	smax.u32 s9, $0x1  }
0xe: {  	s9 =	simm.s32 $0x64;
	s5 =	sadd.s32 s5, s7;
	s10 =	sshrl.u32 s10, $0x3  }
0xf: {  	s8 =	sshrl.u32 s8, $0x3;
	s7 =	sadd.s32 s31, s30;
	[dreg:$0x4] =	wrdreg s10  }
0x10: {  	[dreg:$0x3] =	wrdreg s8;
	s8 =	simm.s32 $0x5;
	s10 =	simm.s32 $0x1A00  }
.LBB2_1:
0x11: {  	[tilespmem:s2], [sflag:$0x5] =	stream.linear.gather [hbm4b:s5+s2], $0x1A00, $0x38;
	[tilespmem:$0x7E00] =	vst v63  }
0x12: {  	_ =	swait.ge [sflag:s8], $0x1A00  }
0x13: {  	[sflag:s8] =	ssyncset.done $0x0  }
0x14: {  	s18 =	simm.s32 $0x0;
	[sflag:s8] =	ssyncadd.s32 $0xFFFFE600  }
0x15: {  	[tilespmem:s10], [sflag:$0x1] =	stream.indirect.gather [hbm4b:s3+s9], $0x40, s2, s9, $0xb8;
	[tilespmem:$0x7E00] =	vst v63  }
0x16: {  	s19 =	sand.u32 $0x2, s18  }
0x17: {  	[tilespmem:s12], [sflag:$0x2] =	stream.indirect.gather [hbm4b:s3+s9], $0x40, s11, s9, $0xb8;
	[tilespmem:$0x7E00] =	vst v63  }
0x18: {  	p1 =	sne.s32 s19, $0x0  }
0x19: {  	[tilespmem:s14], [sflag:$0x3] =	stream.indirect.gather [hbm4b:s3+s9], $0x40, s13, s9, $0xb8;
	[tilespmem:$0x7E00] =	vst v63  }
0x1a: {  	s19 =	simm.s32 @p1 $0x3  }
0x1b: {  	[tilespmem:s16], [sflag:$0x4] =	stream.indirect.gather [hbm4b:s3+s9], $0x40, s15, s9, $0xb8;
	[tilespmem:$0x7E00] =	vst v63  }
0x1c: {  	s20 =	sadd.s32 s4, s7;
	_ =	swait.ge @p1 [sflag:s19], $0x1900  }
0x1d: {  	s21 =	simm.s32 @p1 $0x4C00;
	s22 =	simm.s32 @p1 $0x5;
	[sflag:s19] =	ssyncset.done @p1 $0x0  }
0x1e: {  	s23 =	simm.s32 @p1 $0x80;
	[sflag:s19] =	ssyncadd.s32 @p1 $0xFFFFE700;
	s19 =	simm.s32 @p1 $0x40  }
0x1f: {  	[hbm4b:s20+s19] =	stream.strided.scatter @p1 [tilespmem:s21], [sflag:$0x5], $0xC80, s23, s19, $0x38;
	[tilespmem:$0x7E00] =	vst v63  }
0x20: {  	_ =	swait.ge @p1 [sflag:s22], $0xC80  }
0x21: {  	p0 =	por @p1 $0x0, $0x0;
	s21 =	rddreg [dreg:$0x3];
	[sflag:s22] =	ssyncset.done @p1 $0x0  }
0x22: {  	s24 =	simm.s32 @p1 $0x5880;
	[sflag:s22] =	ssyncadd.s32 @p1 $0xFFFFF380;
	s21 =	sadd.s32 @p1 s4, s21  }
0x23: {  	[hbm4b:s21+s19] =	stream.strided.scatter @p1 [tilespmem:s24], [sflag:$0x5], $0xC80, s23, s19, $0x38;
	[tilespmem:$0x7E00] =	vst v63  }
0x24: {  	p0 =	por p0, !p1;
	_ =	swait.ge @p1 [sflag:s22], $0xC80  }
0x25: {  	s19 =	simm.s32 @!p0 $0x4C00;
	s21 =	simm.s32 @!p1 $0x1;
	[sflag:s22] =	ssyncset.done @p1 $0x0  }
0x26: {  	s23 =	simm.s32 @!p0 $0x64;
	[sflag:s22] =	ssyncadd.s32 @p1 $0xFFFFF380;
	s22 =	simm.s32 @!p0 $0x1A0  }
0x27: {  	[tilespmem:s19], [sflag:$0x3] =	stream.indirect.gather @!p0 [hbm4b:s3+s23], $0x40, s22, s23, $0xb8;
	[tilespmem:$0x7E00] =	vst v63  }
0x28: {  	s29 =	simm.s32 $0xFFFFFFFD;
	_ =	swait.ge @!p1 [sflag:s21], $0x1900  }
0x29: {  	s24 =	simm.s32 @!p1 $0x80;
	s22 =	simm.s32 @!p1 $0x1A00;
	[sflag:s21] =	ssyncset.done @!p1 $0x0  }
0x2a: {  	s23 =	simm.s32 @!p1 $0x5;
	[sflag:s21] =	ssyncadd.s32 @!p1 $0xFFFFE700;
	s21 =	simm.s32 @!p1 $0x40  }
0x2b: {  	[hbm4b:s20+s21] =	stream.strided.scatter @!p1 [tilespmem:s22], [sflag:$0x5], $0xC80, s24, s21, $0x38;
	[tilespmem:$0x7E00] =	vst v63  }
0x2c: {  	s30 =	sand.u32 $0x3, s29;
	_ =	swait.ge @!p1 [sflag:s23], $0xC80  }
0x2d: {  	s25 =	simm.s32 @!p1 $0x2680;
	s19 =	sadd.s32 @!p1 s4, s7;
	[sflag:s23] =	ssyncset.done @!p1 $0x0  }
0x2e: {  	p0 =	por @!p1 $0x0, $0x0;
	s19 =	sadd.s32 @!p1 $0x380, s19;
	[sflag:s23] =	ssyncadd.s32 @!p1 $0xFFFFF380  }
0x2f: {  	[hbm4b:s19+s21] =	stream.strided.scatter @!p1 [tilespmem:s25], [sflag:$0x5], $0xC80, s24, s21, $0x38;
	[tilespmem:$0x7E00] =	vst v63  }
0x30: {  	p2 =	por p0, p1;
	p0 =	seq.s32 s30, $0x3;
	_ =	swait.ge @!p1 [sflag:s23], $0xC80  }
0x31: {  	s26 =	simm.s32 @!p2 $0x1A00;
	s22 =	simm.s32 @!p2 $0x1A0;
	[sflag:s23] =	ssyncset.done @!p1 $0x0  }
0x32: {  	s19 =	simm.s32 @!p2 $0x64;
	[sflag:s23] =	ssyncadd.s32 @!p1 $0xFFFFF380;
	s23 =	simm.s32 @p0 $0x4  }
0x33: {  	[tilespmem:s26], [sflag:$0x1] =	stream.indirect.gather @!p2 [hbm4b:s3+s19], $0x40, s22, s19, $0xb8;
	[tilespmem:$0x7E00] =	vst v63  }
0x34: {  	s20 =	sadd.s32 $0x700, s20;
	s31 =	rddreg [dreg:$0x4];
	_ =	swait.ge @p0 [sflag:s23], $0x1900  }
0x35: {  	s24 =	simm.s32 @p0 $0x5;
	s25 =	simm.s32 @p0 $0x80;
	[sflag:s23] =	ssyncset.done @p0 $0x0  }
0x36: {  	s19 =	simm.s32 @p0 $0x6500;
	[sflag:s23] =	ssyncadd.s32 @p0 $0xFFFFE700;
	s23 =	simm.s32 @p0 $0x40  }
0x37: {  	[hbm4b:s20+s23] =	stream.strided.scatter @p0 [tilespmem:s19], [sflag:$0x5], $0xC80, s25, s23, $0x38;
	[tilespmem:$0x7E00] =	vst v63  }
0x38: {  	_ =	swait.ge @p0 [sflag:s24], $0xC80  }
0x39: {  	[sflag:s24] =	ssyncset.done @p0 $0x0  }
0x3a: {  	s22 =	sadd.s32 s4, s31;
	s19 =	simm.s32 @p0 $0x7180;
	[sflag:s24] =	ssyncadd.s32 @p0 $0xFFFFF380  }
0x3b: {  	[hbm4b:s22+s23] =	stream.strided.scatter @p0 [tilespmem:s19], [sflag:$0x5], $0xC80, s25, s23, $0x38;
	[tilespmem:$0x7E00] =	vst v63  }
0x3c: {  	s21 =	simm.s32 @!p0 $0x2;
	p1 =	por @p0 $0x0, $0x0;
	_ =	swait.ge @p0 [sflag:s24], $0xC80  }
0x3d: {  	p1 =	por p1, !p0;
	s19 =	simm.s32 $0x208;
	[sflag:s24] =	ssyncset.done @p0 $0x0  }
0x3e: {  	s23 =	simm.s32 @!p1 $0x64;
	[sflag:s24] =	ssyncadd.s32 @p0 $0xFFFFF380;
	s24 =	simm.s32 @!p1 $0x6500  }
0x3f: {  	[tilespmem:s24], [sflag:$0x4] =	stream.indirect.gather @!p1 [hbm4b:s3+s23], $0x40, s19, s23, $0xb8;
	[tilespmem:$0x7E00] =	vst v63  }
0x40: {  	_ =	swait.ge @!p0 [sflag:s21], $0x1900  }
0x41: {  	s26 =	simm.s32 @!p0 $0x3300;
	s25 =	simm.s32 @!p0 $0x80;
	[sflag:s21] =	ssyncset.done @!p0 $0x0  }
0x42: {  	s23 =	simm.s32 @!p0 $0x5;
	s24 =	simm.s32 @!p0 $0x40;
	[sflag:s21] =	ssyncadd.s32 @!p0 $0xFFFFE700  }
0x43: {  	[hbm4b:s20+s24] =	stream.strided.scatter @!p0 [tilespmem:s26], [sflag:$0x5], $0xC80, s25, s24, $0x38;
	[tilespmem:$0x7E00] =	vst v63  }
0x44: {  	p1 =	por @!p0 $0x0, $0x0;
	_ =	swait.ge @!p0 [sflag:s23], $0xC80  }
0x45: {  	p3 =	por p1, p0;
	[sflag:s23] =	ssyncset.done @!p0 $0x0  }
0x46: {  	s21 =	simm.s32 @!p0 $0x3F80;
	s20 =	smov.u32 s4;
	[sflag:s23] =	ssyncadd.s32 @!p0 $0xFFFFF380  }
.LBB2_2:
0x47: {  	[hbm4b:s22+s24] =	stream.strided.scatter @!p0 [tilespmem:s21], [sflag:$0x5], $0xC80, s25, s24, $0x38;
	[tilespmem:$0x7E00] =	vst v63  }
0x48: {  	s31 =	smov.u32 s18;
	s18 =	sadd.s32 $0x2, s18  }
0x49: {  	_ =	swait.ge @!p0 [sflag:s23], $0xC80;
	s29 =	sand.u32 $0x2, s18  }
0x4a: {  	s24 =	simm.s32 @!p3 $0x3300;
	[sflag:s23] =	ssyncset.done @!p0 $0x0;
	p2 =	sne.s32 s29, $0x0  }
0x4b: {  	s22 =	simm.s32 @!p3 $0x64;
	[sflag:s23] =	ssyncadd.s32 @!p0 $0xFFFFF380;
	s23 =	simm.s32 @p2 $0x3  }
0x4c: {  	[tilespmem:s24], [sflag:$0x2] =	stream.indirect.gather @!p3 [hbm4b:s3+s22], $0x40, s19, s22, $0xb8;
	[tilespmem:$0x7E00] =	vst v63  }
0x4d: {  	s20 =	sadd.s32 $0xE00, s20;
	s26 =	simm.s32 @p2 $0x5;
	_ =	swait.ge @p2 [sflag:s23], $0x1900  }
0x4e: {  	s28 =	simm.s32 @p2 $0x80;
	s22 =	sadd.s32 s20, s7;
	[sflag:s23] =	ssyncset.done @p2 $0x0  }
0x4f: {  	s24 =	simm.s32 @p2 $0x4C00;
	[sflag:s23] =	ssyncadd.s32 @p2 $0xFFFFE700;
	s23 =	simm.s32 @p2 $0x40  }
0x50: {  	[hbm4b:s22+s23] =	stream.strided.scatter @p2 [tilespmem:s24], [sflag:$0x5], $0xC80, s28, s23, $0x38;
	[tilespmem:$0x7E00] =	vst v63  }
0x51: {  	p0 =	sgt.u32 @p2 s18, $0x3B;
	s25 =	sadd.s32 @!p2 s20, s7;
	_ =	swait.ge @p2 [sflag:s26], $0xC80  }
0x52: {  	s24 =	sadd.s32 @!p2 $0x380, s25;
	[sflag:s26] =	ssyncset.done @p2 $0x0;
	s25 =	rddreg [dreg:$0x3]  }
0x53: {  	s29 =	simm.s32 @p2 $0x5880;
	[sflag:s26] =	ssyncadd.s32 @p2 $0xFFFFF380;
	s25 =	sadd.s32 @p2 s20, s25  }
0x54: {  	[hbm4b:s25+s23] =	stream.strided.scatter @p2 [tilespmem:s29], [sflag:$0x5], $0xC80, s28, s23, $0x38;
	[tilespmem:$0x7E00] =	vst v63  }
0x55: {  	p0 =	por p0, !p2;
	s19 =	sadd.s32 $0xD0, s19;
	_ =	swait.ge @p2 [sflag:s26], $0xC80  }
0x56: {  	s23 =	simm.s32 @!p0 $0x4C00;
	s25 =	simm.s32 @!p2 $0x1;
	[sflag:s26] =	ssyncset.done @p2 $0x0  }
0x57: {  	s28 =	simm.s32 @!p0 $0x64;
	[sflag:s26] =	ssyncadd.s32 @p2 $0xFFFFF380;
	s26 =	sadd.s32 @!p0 $0xFFFFFF98, s19  }
0x58: {  	[tilespmem:s23], [sflag:$0x3] =	stream.indirect.gather @!p0 [hbm4b:s3+s28], $0x40, s26, s28, $0xb8;
	[tilespmem:$0x7E00] =	vst v63  }
0x59: {  	_ =	swait.ge @!p2 [sflag:s25], $0x1900  }
0x5a: {  	s23 =	simm.s32 @!p2 $0x1A00;
	s26 =	simm.s32 @!p2 $0x5;
	[sflag:s25] =	ssyncset.done @!p2 $0x0  }
0x5b: {  	s28 =	simm.s32 @!p2 $0x80;
	[sflag:s25] =	ssyncadd.s32 @!p2 $0xFFFFE700;
	s25 =	simm.s32 @!p2 $0x40  }
0x5c: {  	[hbm4b:s22+s25] =	stream.strided.scatter @!p2 [tilespmem:s23], [sflag:$0x5], $0xC80, s28, s25, $0x38;
	[tilespmem:$0x7E00] =	vst v63  }
0x5d: {  	p1 =	sgt.u32 @!p2 s18, $0x3B;
	_ =	swait.ge @!p2 [sflag:s26], $0xC80  }
0x5e: {  	s30 =	sadd.s32 $0xFFFFFFFF, s31;
	p3 =	por p1, p2;
	[sflag:s26] =	ssyncset.done @!p2 $0x0  }
0x5f: {  	s21 =	sadd.s32 $0x700, s22;
	s22 =	simm.s32 @!p2 $0x2680;
	[sflag:s26] =	ssyncadd.s32 @!p2 $0xFFFFF380  }
0x60: {  	[hbm4b:s24+s25] =	stream.strided.scatter @!p2 [tilespmem:s22], [sflag:$0x5], $0xC80, s28, s25, $0x38;
	[tilespmem:$0x7E00] =	vst v63  }
0x61: {  	s29 =	simm.s32 @!p3 $0x1A00;
	s23 =	sand.u32 $0x3, s30;
	_ =	swait.ge @!p2 [sflag:s26], $0xC80  }
0x62: {  	p0 =	seq.s32 s23, $0x3;
	s22 =	simm.s32 @!p3 $0x64;
	[sflag:s26] =	ssyncset.done @!p2 $0x0  }
0x63: {  	s24 =	sadd.s32 @!p3 $0xFFFFFF98, s19;
	s25 =	simm.s32 @p0 $0x4;
	[sflag:s26] =	ssyncadd.s32 @!p2 $0xFFFFF380  }
0x64: {  	[tilespmem:s29], [sflag:$0x1] =	stream.indirect.gather @!p3 [hbm4b:s3+s22], $0x40, s24, s22, $0xb8;
	[tilespmem:$0x7E00] =	vst v63  }
0x65: {  	s31 =	rddreg [dreg:$0x4];
	_ =	swait.ge @p0 [sflag:s25], $0x1900  }
0x66: {  	s26 =	simm.s32 @p0 $0x80;
	s22 =	simm.s32 @p0 $0x6500;
	[sflag:s25] =	ssyncset.done @p0 $0x0  }
0x67: {  	s24 =	simm.s32 @p0 $0x5;
	[sflag:s25] =	ssyncadd.s32 @p0 $0xFFFFE700;
	s25 =	simm.s32 @p0 $0x40  }
0x68: {  	[hbm4b:s21+s25] =	stream.strided.scatter @p0 [tilespmem:s22], [sflag:$0x5], $0xC80, s26, s25, $0x38;
	[tilespmem:$0x7E00] =	vst v63  }
0x69: {  	_ =	swait.ge @p0 [sflag:s24], $0xC80  }
0x6a: {  	[sflag:s24] =	ssyncset.done @p0 $0x0  }
0x6b: {  	s23 =	simm.s32 @p0 $0x7180;
	s22 =	sadd.s32 s20, s31;
	[sflag:s24] =	ssyncadd.s32 @p0 $0xFFFFF380  }
0x6c: {  	[hbm4b:s22+s25] =	stream.strided.scatter @p0 [tilespmem:s23], [sflag:$0x5], $0xC80, s26, s25, $0x38;
	[tilespmem:$0x7E00] =	vst v63  }
0x6d: {  	p2 =	sgt.u32 @p0 s18, $0x3A;
	_ =	swait.ge @p0 [sflag:s24], $0xC80  }
0x6e: {  	p2 =	por p2, !p0;
	s25 =	simm.s32 @!p0 $0x2;
	[sflag:s24] =	ssyncset.done @p0 $0x0  }
0x6f: {  	s23 =	simm.s32 @!p2 $0x64;
	[sflag:s24] =	ssyncadd.s32 @p0 $0xFFFFF380;
	s24 =	simm.s32 @!p2 $0x6500  }
0x70: {  	[tilespmem:s24], [sflag:$0x4] =	stream.indirect.gather @!p2 [hbm4b:s3+s23], $0x40, s19, s23, $0xb8;
	[tilespmem:$0x7E00] =	vst v63  }
0x71: {  	p1 =	slt.u32 s18, $0x3E;
	s26 =	simm.s32 @!p0 $0x3300;
	_ =	swait.ge @!p0 [sflag:s25], $0x1900  }
0x72: {  	s23 =	simm.s32 @!p0 $0x5;
	s24 =	simm.s32 @!p0 $0x40;
	[sflag:s25] =	ssyncset.done @!p0 $0x0  }
.Ltmp0:
0x73: {  	[sflag:s25] =	ssyncadd.s32 @!p0 $0xFFFFE700;
	s25 =	simm.s32 @!p0 $0x80;
	(pc) =	sbr.rel @p1 .LBB2_2-.Ltmp0, $4  }
0x74: {  	[hbm4b:s21+s24] =	stream.strided.scatter @!p0 [tilespmem:s26], [sflag:$0x5], $0xC80, s25, s24, $0x38;
	[tilespmem:$0x7E00] =	vst v63  }
0x75: {  	_ =	swait.ge @!p0 [sflag:s23], $0xC80  }
0x76: {  	p3 =	sgt.u32 @!p0 s18, $0x3A;
	[sflag:s23] =	ssyncset.done @!p0 $0x0  }
0x77: {  	p3 =	por p3, p0;
	s21 =	simm.s32 @!p0 $0x3F80;
	[sflag:s23] =	ssyncadd.s32 @!p0 $0xFFFFF380  }
0x78: {  	[hbm4b:s22+s24] =	stream.strided.scatter @!p0 [tilespmem:s21], [sflag:$0x5], $0xC80, s25, s24, $0x38;
	[tilespmem:$0x7E00] =	vst v63  }
0x79: {  	_ =	swait.ge @!p0 [sflag:s23], $0xC80  }
0x7a: {  	s17 =	sadd.s32 $0x1, s17;
	[sflag:s23] =	ssyncset.done @!p0 $0x0  }
0x7b: {  	[sflag:s23] =	ssyncadd.s32 @!p0 $0xFFFFF380;
	p0 =	sne.s32 s17, s6  }
.Ltmp1:
0x7c: {  	_ = 	snop;
	(pc) =	sbr.rel @p0 .LBB2_1-.Ltmp1, $3  }
0x7d: {  	_ =	sdelay $0x1  }
0x7e: {  	s18 =	simm.s32 @!p3 $0x3300;
	s20 =	simm.s32 @!p3 $0x64  }
0x7f: {  	[tilespmem:s18], [sflag:$0x2] =	stream.indirect.gather @!p3 [hbm4b:s3+s20], $0x40, s19, s20, $0xb8;
	[tilespmem:$0x7E00] =	vst v63  }
0x80: {  	_ =	sfence.sel $0x180000  }
0x81: {  	[bflag:$0x0] =	sbarrier.arrive $0xFFFF  }
0x82: {  	p0 =	sne.s32 s1, $0x0;
	_ =	strace $0x90000047  }
0x83: {  	s0 =	sadd.s32 @!p0 $0x100000, s0;
	[bflag:$0x2] =	sbarrier.arrive $0xFFFF  }
0x84: {  	[sflag:s0] =	ssyncadd.tile.s32 @!p0 $0x1;
	_ =	shalt  }
.Lfunc_end2:
_tile_overlayer_lowered:
.L_overlay_start_2:
0x85: {  	(tag) =	ssettag $0x2  }
0x86: {  	s0 =	rddreg [dreg:$0x0];
	s2 =	stileid.u32  }
0x87: {  	s1 =	rddreg [dreg:$0x1];
	p0 =	sne.s32 s2, $0x0  }
0x88: {  	s3 =	rddreg [dreg:$0x2];
	[bflag:$0x3] =	sbarrier.arrive $0xFFFF;
	s2 =	simm.s32 @!p0 $0x1C05  }
0x89: {  	[timem:s3], [sflag:s2] =	dma.local @!p0 [hbm:s0], s1  }
0x8a: {  	s0 =	simm.s32 @!p0 $0x5  }
0x8b: {  	_ =	swait.ge @!p0 [sflag:s0], s1  }
0x8c: {  	s1 =	ssub.s32 @!p0 $0x0, s1;
	[sflag:s0] =	ssyncset.done @!p0 $0x0  }
0x8d: {  	[sflag:s0] =	ssyncadd.s32 @!p0 s1  }
0x8e: {  	[bflag:$0x3] =	sbarrier.arrive $0xFFFF  }
0x8f: {  	_ =	shalt  }

// kernel: sparse-core-data-format-call.cloned.1.call-start
scs
called_computation_lowered:
.L_overlay_start_0:
0x0: {  	s2 =	sld [smem:$0x3FD9]  }
0x1: {  	s3 =	sld [smem:$0x3FFE];
	_ =	sdelay $0x1  }
0x2: {  	s1 =	srdreg.scid  }
0x3: {  	s0 =	sand.u32 $0x1, s1  }
0x4: {  	s15 =	sshll.u32 s0, $0xA;
	s2 =	sadd.s32 s3, s2  }
0x5: {  	s2 =	sadd.s32 s2, s15  }
0x6: {  	[smem:$0x3FC6] =	sst s2  }
0x7: {  	_ = 	snop  }
0x8: {  	s2 =	sld [smem:$0x3FD0];
	_ =	sdelay $0x2  }
0x9: {  	s16 =	simm.s32 $0xA;
	s4 =	simm.s32 $0x10  }
0xa: {  	[smem:s4], [sflag:s16] =	dma.local [hbm:s2], $0x1  }
0xb: {  	_ =	swait.eq [sflag:s16], $0x1  }
0xc: {  	[sflag:s16] =	ssyncset.done $0x0  }
0xd: {  	[sflag:s16] =	ssyncadd.s32 $0xFFFFFFFF  }
0xe: {  	s17 =	sld [smem:$0x10];
	(tm) =	ssettm $0x1  }
0xf: {  	s18 =	sld [smem:$0x3FFB];
	_ =	sdelay $0x3  }
0x10: {  	_ =	strace s18  }
0x11: {  	s3 =	sld [smem:$0x3FFC];
	_ =	sdelay $0x3  }
0x12: {  	_ =	strace s3  }
0x13: {  	s3 =	sld [smem:$0x3FFD];
	_ =	sdelay $0x3  }
0x14: {  	_ =	strace s3  }
0x15: {  	_ =	strace $0x8FFFFFFF  }
0x16: {  	s19 =	sld [smem:$0x3FDB];
	_ =	sdelay $0x1  }
0x17: {  	s20 =	simm.s32 $_scs_section_size  }
0x18: {  	s5 =	simm.s32 $_size__tile_overlayer_lowered;
	s6 =	simm.s32 $_tile_overlayer_lowered  }
0x19: {  	s23 =	simm.s32 $0x1BFF;
	s22 =	sshll.u32 s6, $0x1;
	s3 =	sadd.s32 s20, s19  }
0x1a: {  	s7 =	simm.s32 $0x0;
	s21 =	sshll.u32 s5, $0x1;
	s5 =	sadd.s32 s22, s3  }
0x1b: {  	[timem:s7], [sflag:s23] =	dma.local [hbm:s5], s21  }
0x1c: {  	_ =	swait.ge [sflag:s23], s21  }
0x1d: {  	s4 =	ssub.s32 $0x0, s21;
	[sflag:s23] =	ssyncset.done $0x0  }
0x1e: {  	[sflag:s23] =	ssyncadd.s32 s4;
	_ =	sdelay $0x1  }
0x1f: {  	s24 =	simm.s32 $0x1B8B  }
0x20: {  	_ =	swait.ge [sflag:s24], $0x1  }
0x21: {  	[sflag:s24] =	ssyncset.done $0x0  }
0x22: {  	s26 =	simm.s32 $0x1B8E;
	s25 =	sld [smem:$0x3FFE];
	[sflag:s24] =	ssyncadd.s32 $0xFFFFFFFF  }
0x23: {  	s27 =	simm.s32 $execute0_lowered;
	[smem:$0x3FD2] =	sst s26  }
0x24: {  	s5 =	sshll.u32 s27, $0x1;
	_ =	strace $0x80000049;
	[dreg:$0x1] =	wrdreg $0xFFFFFFFF  }
0x25: {  	s28 =	simm.s32 $_size_execute0_lowered;
	s3 =	sadd.s32 s3, s5;
	[dreg:$0x0] =	wrdreg $0x0  }
0x26: {  	s5 =	sshll.u32 s28, $0x1;
	[dreg:$0x2] =	wrdreg s3  }
0x27: {  	[dreg:$0x3] =	wrdreg s5  }
0x28: {  	[dreg:$0x4] =	wrdreg $0xC0  }
0x29: {  	_ =	task [dreg:s7], $0x5FFFF  }
0x2a: {  	[dreg:$0x1] =	wrdreg $0xFFFFFFFF  }
0x2b: {  	[dreg:$0x0] =	wrdreg $0x60  }
0x2c: {  	[dreg:$0x2] =	wrdreg s25  }
0x2d: {  	[dreg:$0x3] =	wrdreg s17  }
0x2e: {  	[dreg:$0x4] =	wrdreg $0x9  }
0x2f: {  	_ =	task.clear_ibuf [dreg:s7], $0x5FFFF;
	_ =	strace $0x90000049  }
0x30: {  	s29 =	simm.s32 $0x9;
	_ =	strace $0x8000004B  }
0x31: {  	_ =	swait.ge [sflag:s29], $0x1  }
0x32: {  	[sflag:s29] =	ssyncadd.s32 $0xFFFFFFFF  }
0x33: {  	_ =	strace $0x9000004B  }
0x34: {  	_ =	sfence  }
0x35: {  	s30 =	sld [smem:$0x0];
	_ =	sdelay $0x2  }
0x36: {  	s31 =	sshll.u32 s1, $0xD;
	s1 =	sshrl.u32 s1, $0x2  }
0x37: {  	s3 =	sand.u32 $0x4000, s31;
	s1 =	sadd.s32 s1, s30  }
0x38: {  	s0 =	sor.u32 s3, s0;
	s1 =	sshll.u32 s1, $0x11  }
0x39: {  	s0 =	sor.u32 s1, s0  }
0x3a: {  	s0 =	sadd.s32 $0x8F2B, s0  }
0x3b: {  	[sflag:s0] =	ssyncadd.remote.s32 $0x1  }
0x3c: {  	_ =	sfence.sel $0xFFFF  }
0x3d: {  	[dreg:$0x0] =	wrdreg $0xFFFFFFFF;
	(pc) =	sbr.abs _section_cstart, $3  }
0x3e: {  	[dreg:$0x1] =	wrdreg $0xFFFFFFFF  }
0x3f: {  	_ =	task.clear_ibuf [dreg:s7], $0x2FFFF;
	_ =	strace $0x9FFFFFFF  }
0x40: {  	(tm) =	ssettm $0x7FFFFFFF  }
0x41: {  	_ =	shalt  }
tec
execute0_lowered:
.L_overlay_start_1:
0x0: {  	(tag) =	ssettag $0x1  }
0x1: {  	s0 =	srdreg.scid  }
0x2: {  	s1 =	sshll.u32 s0, $0x4  }
0x3: {  	s0 =	stileid.u32;
	s1 =	sand.u32 $0x10, s1  }
0x4: {  	s1 =	sor.u32 s0, s1  }
0x5: {  	s6 =	rddreg [dreg:$0x0];
	s4 =	simm.s32 $0x1;
	s2 =	sshll.u32 s1, $0x7  }
0x6: {  	s7 =	simm.s32 $0x2;
	s12 =	simm.s32 $0x0;
	s1 =	ssub.s32 $0x1000, s2  }
0x7: {  	s8 =	simm.s32 $0x8000;
	s13 =	simm.s32 $0x0;
	s3 =	sand.u32 $0xF80, s1  }
0x8: {  	s9 =	simm.s32 $0x0;
	s5 =	sshrl.u32 s1, $0xC;
	p0 =	sne.s32 s3, $0x0  }
.Ltmp0:
0x9: {  	s1 =	rddreg [dreg:$0x2];
	s4 =	simm.s32 @!p0 $0x0;
	(pc) =	sbr.rel .LBB1_1-.Ltmp0, $4  }
0xa: {  	s11 =	simm.s32 $0x0;
	s3 =	rddreg [dreg:$0x1];
	s5 =	sadd.s32 s4, s5  }
0xb: {  	_ =	strace $0x8000004A;
	s4 =	simm.s32 $0x1;
	s5 =	smul.u32 $0x32, s5  }
0xc: {  	s6 =	sadd.s32 $0xF53200, s6;
	s10 =	smov.u32 s2;
	[sflag:s4] =	ssyncpa.u1 $0x0  }
0xd: {  	p0 =	por $0x0, $0x0;
	[sflag:s7] =	ssyncpa.u1 $0x0;
	s7 =	sor.u32 $0x1, s5  }
.LBB1_4:
0xe: {  	s16 =	sshll.u32 s13, $0x3;
	s17 =	sand.u32 $0x78, s13  }
0xf: {  	s30 =	sand.u32 $0x7E00, s13;
	s12 =	sshll.u32 s12, $0xF;
	s16 =	sand.u32 $0xC00, s16  }
0x10: {  	[tilespmem:s15+$0x810 ss:$0x81] =	vst.msk $0xffff, v2;
	s31 =	sand.u32 $0x7, s13;
	s16 =	sor.u32 s17, s16;
	s17 =	sadd.s32 s3, s30  }
0x11: {  	[tilespmem:s15+$0x1020 ss:$0x81] =	vst.msk $0xffff, v0;
	s13 =	sshll.u32 s31, $0x12;
	s12 =	sadd.s32 s12, s17;
	s16 =	sshrl.u32 s16, $0x3  }
0x12: {  	[tilespmem:s15+$0x0 ss:$0x81] =	vst.msk $0xffff, v1;
	s13 =	sor.u32 $0x400, s13;
	s12 =	sadd.s32 s16, s12  }
0x13: {  	[hbm4b:s12+s13] =	stream.strided.scatter [tilespmem:s14], [sflag:$0x2], $0x2000, s8, s13, $0x20;
	[tilespmem:$0x8080] =	vst v63  }
.LBB1_5:
0x14: {  	s14 =	sadd.s32 $0x1, s9  }
0x15: {  	s12 =	sadd.s32 $0x1000, s10;
	s16 =	smov.u32 s10;
	p2 =	sgt.s32 s14, $0x31  }
0x16: {  	s16 =	smov.u32 @p2 s12  }
0x17: {  	s14 =	simm.s32 @p2 $0x0;
	p2 =	sgt.s32 s16, $0xFFF  }
0x18: {  	s16 =	smov.u32 @p2 s2;
	p2 =	sne.s32 s11, s7  }
.Ltmp1:
0x19: {  	p1 =	slt.u32 s11, $0x2;
	(pc) =	sbr.rel @!p2 .LBB1_6-.Ltmp1, $4  }
0x1a: {  	s15 =	simm.s32 @!p1 $0x2  }
0x1b: {  	s13 =	smov.u32 s10;
	p0 =	por !p0, !p0;
	_ =	swait.ge @!p1 [sflag:s15], $0x2000  }
0x1c: {  	s12 =	smov.u32 s9;
	[sflag:s15] =	ssyncset.done @!p1 $0x0;
	s9 =	smov.u32 s14  }
0x1d: {  	s11 =	sadd.s32 $0x1, s11;
	[sflag:s15] =	ssyncadd.s32 @!p1 $0xFFFFE000;
	s10 =	smov.u32 s16  }
.LBB1_1:
0x1e: {  	p1 =	sge.u32 s11, s5  }
0x1f: {  	s14 =	sand.u32 @!p1 $0x1FFFFFF, s9  }
0x20: {  	s15 =	smulhi.u32 @!p1 $0x4924925, s14;
	_ =	sdelay $0x1  }
0x21: {  	s15 =	smul.u32 @!p1 $0x38, s15  }
0x22: {  	s16 =	sxor.u32 @!p1 $0xFFFFFFFF, s11;
	s17 =	smul.u32 @!p1 $0x380, s10  }
0x23: {  	s31 =	sadd.s32 $0xFFFFFFFF, s11;
	s16 =	sshll.u32 @!p1 s16, $0xD;
	s14 =	ssub.s32 @!p1 s14, s15  }
0x24: {  	s15 =	sand.u32 @!p1 $0x2000, s16;
	s16 =	sadd.s32 @!p1 s6, s17;
	s14 =	sshll.u32 @!p1 s14, $0x4  }
0x25: {  	s17 =	simm.s32 @!p1 $0x1C00;
	s14 =	sadd.s32 @!p1 s14, s16;
	s16 =	simm.s32 @!p1 $0x40  }
0x26: {  	[tilespmem:s15], [sflag:$0x1] =	stream.strided.gather @!p1 [hbm4b:s14+s16], $0x2000, s17, s16, $0x38;
	[tilespmem:$0x8080] =	vst v63  }
0x27: {  	p1 =	sge.u32 s31, s5  }
.Ltmp2:
0x28: {  	_ = 	snop;
	(pc) =	sbr.rel @p1 .LBB1_5-.Ltmp2, $1  }
0x29: {  	_ =	sdelay $0x3  }
0x2a: {  	s14 =	simm.s32 $0x1  }
0x2b: {  	_ =	swait.ge [sflag:s4], $0x2000;
	s14 =	simm.s32 @!p0 $0x0  }
0x2c: {  	[sflag:s4] =	ssyncset.done $0x0;
	s15 =	sshll.u32 s14, $0xD  }
0x2d: {  	[sflag:s4] =	ssyncadd.s32 $0xFFFFE000;
	s18 =	sor.u32 $0x20, s15  }
0x2e: {  	s14 =	smul.u32 $0x8100, s14;
	v3 =	vld [tilespmem:s18+$0x10]  }
0x2f: {  	s30 =	sand.u32 $0x1, s11;
	v2 =	vld [tilespmem:s18+$0xFFFFFFF0]  }
0x30: {  	s15 =	smul.u32 $0x8100, s30;
	s14 =	sshrl.u32 s14, $0x2;
	v0 =	vld [tilespmem:s18+$0x0]  }
0x31: {  	v1 =	vld [tilespmem:s18+$0xFFFFFFE0];
	s16 =	sor.u32 $0x4000, s14  }
0x32: {  	s31 =	sshrl.u32 s15, $0x2;
	s15 =	sadd.s32 $0x0, s16  }
0x33: {  	s17 =	simm.s32 $0x4;
	s18 =	sadd.s32 $0x40, s18;
	s14 =	sor.u32 $0x4000, s31;
	[tilespmem:s15+$0x1830 ss:$0x81] =	vst.msk $0xffff, v3  }
.LBB1_3:
0x34: {  	v3 =	vld [tilespmem:s18+$0x10];
	p1 =	sne.s32 s17, $0x1FC;
	[tilespmem:s15+$0x810 ss:$0x81] =	vst.msk $0xffff, v2;
	s19 =	smov.u32 s17;
	s17 =	sadd.s32 $0x4, s17  }
.Ltmp3:
0x35: {  	v2 =	vld [tilespmem:s18+$0xFFFFFFF0];
	[tilespmem:s15+$0x1020 ss:$0x81] =	vst.msk $0xffff, v0;
	(pc) =	sbr.rel @p1 .LBB1_3-.Ltmp3, $4  }
0x36: {  	v0 =	vld [tilespmem:s18+$0x0];
	[tilespmem:s15+$0x0 ss:$0x81] =	vst.msk $0xffff, v1  }
0x37: {  	s15 =	sshra.s32 s19, $0x2;
	v1 =	vld [tilespmem:s18+$0xFFFFFFE0]  }
0x38: {  	s15 =	sadd.s32 s15, s16  }
0x39: {  	s18 =	sadd.s32 $0x40, s18;
	[tilespmem:s15+$0x1830 ss:$0x81] =	vst.msk $0xffff, v3  }
.Ltmp4:
0x3a: {  	_ = 	snop;
	(pc) =	sbr.rel .LBB1_4-.Ltmp4, $1  }
0x3b: {  	_ =	sdelay $0x3  }
.LBB1_6:
0x3c: {  	_ =	sfence.sel $0x180000  }
0x3d: {  	s2 =	simm.s32 $0x1;
	[bflag:$0x0] =	sbarrier.arrive $0xFFFF  }
0x3e: {  	s31 =	simm.s32 $0x2;
	[sflag:s2] =	ssyncpa.u1 $0x1  }
0x3f: {  	[sflag:s31] =	ssyncpa.u1 $0x1  }
0x40: {  	p0 =	sne.s32 s0, $0x0;
	_ =	strace $0x9000004A  }
0x41: {  	s0 =	sadd.s32 @!p0 $0x100000, s1;
	[bflag:$0x2] =	sbarrier.arrive $0xFFFF  }
0x42: {  	[sflag:s0] =	ssyncadd.tile.s32 @!p0 $0x1;
	_ =	shalt  }
.Lfunc_end1:
_tile_overlayer_lowered:
.L_overlay_start_2:
0x43: {  	(tag) =	ssettag $0x2  }
0x44: {  	s0 =	rddreg [dreg:$0x0];
	s2 =	stileid.u32  }
0x45: {  	s1 =	rddreg [dreg:$0x1];
	p0 =	sne.s32 s2, $0x0  }
0x46: {  	s3 =	rddreg [dreg:$0x2];
	[bflag:$0x3] =	sbarrier.arrive $0xFFFF;
	s2 =	simm.s32 @!p0 $0x1C01  }
0x47: {  	[timem:s3], [sflag:s2] =	dma.local @!p0 [hbm:s0], s1  }
0x48: {  	s0 =	simm.s32 @!p0 $0x1  }
0x49: {  	_ =	swait.ge @!p0 [sflag:s0], s1  }
0x4a: {  	s1 =	ssub.s32 @!p0 $0x0, s1;
	[sflag:s0] =	ssyncset.done @!p0 $0x0  }
0x4b: {  	[sflag:s0] =	ssyncadd.s32 @!p0 s1  }
0x4c: {  	[bflag:$0x3] =	sbarrier.arrive $0xFFFF  }
0x4d: {  	_ =	shalt  }

</sc_bundles>
